<compile_context>
chip_gen: v7x
topology: tpu7x:2x2x1
jax: 0.10.2.dev20260603
libtpu: 0.0.44.dev20260713+nightly
codegen_flags: <defaults>
</compile_context>

<pallas_src>
import functools

import jax
import jax.numpy as jnp
from jax import lax
from jax.experimental import pallas as pl
from jax.experimental.pallas import tpu as pltpu
from jax.experimental.pallas import tpu_sc as plsc

_N = 1024
_D = 256
_M = 4096
_C = 512
_MM = 64
_K = 256

_NC = 2
_NS = 16
_NW = _NC * _NS
_CB = _C // _NW
_NB = _N // _NW

_mesh = plsc.VectorSubcoreMesh(core_axis_name="c", subcore_axis_name="s")


@functools.partial(
    pl.kernel,
    out_type=[
        jax.ShapeDtypeStruct((_C, _C), jnp.float32),
        jax.ShapeDtypeStruct((_N, 1), jnp.int32),
        jax.ShapeDtypeStruct((_N, _D), jnp.float32),
    ],
    mesh=_mesh,
    compiler_params=pltpu.CompilerParams(needs_layout_passes=False),
    scratch_types=[
        pltpu.VMEM((_M,), jnp.int32),
        pltpu.VMEM((_C,), jnp.int32),
        pltpu.VMEM((_K,), jnp.int32),
        pltpu.VMEM((_CB, _MM), jnp.int32),
        pltpu.VMEM((_CB, _MM), jnp.float32),
        pltpu.VMEM((_CB,), jnp.int32),
        pltpu.VMEM((_CB, _C), jnp.float32),
        pltpu.VMEM((_NB,), jnp.int32),
        pltpu.VMEM((_NB, 1), jnp.int32),
        pltpu.VMEM((_NB, _D), jnp.float32),
        pltpu.SemaphoreType.DMA,
        pltpu.SemaphoreType.DMA,
        pltpu.SemaphoreType.DMA,
    ],
)
def _sc_stage(n2c_hbm, c2n_hbm, ms_hbm, mn_hbm, cidx_hbm, nodes_hbm, e_hbm,
              a_hbm, cn_hbm, ce_hbm,
              n2c_v, inset_v, cidx_v, c2n_v, ms_v, mn_v, arow_v,
              nodes_v, cn_v, rows_v, sem, sem_in, sem_out):
    wid = lax.axis_index("s") * _NC + lax.axis_index("c")
    cbase = wid * _CB
    nbase = wid * _NB

    in_copies = [
        pltpu.async_copy(nodes_hbm.at[pl.ds(nbase, _NB)], nodes_v, sem_in),
        pltpu.async_copy(n2c_hbm, n2c_v, sem_in),
        pltpu.async_copy(cidx_hbm, cidx_v, sem_in),
        pltpu.async_copy(c2n_hbm.at[pl.ds(cbase, _CB)], c2n_v, sem_in),
        pltpu.async_copy(ms_hbm.at[pl.ds(cbase, _CB)], ms_v, sem_in),
        pltpu.async_copy(mn_hbm.at[pl.ds(cbase, _CB)], mn_v, sem_in),
    ]

    zi16 = jnp.zeros((16,), jnp.int32)
    zf16 = jnp.zeros((16,), jnp.float32)
    one16 = jnp.ones((16,), jnp.int32)
    iota16 = lax.iota(jnp.int32, 16)

    @plsc.parallel_loop(0, _CB, 1, unroll=2)
    def _zbody(i):
        for j in range(_C // 16):
            arow_v[i, pl.ds(j * 16, 16)] = zf16

    for i in range(_C // 16):
        inset_v[pl.ds(i * 16, 16)] = zi16

    for cp in in_copies:
        cp.wait()

    gather = pltpu.async_copy(e_hbm.at[nodes_v], rows_v, sem)

    for i in range(_K // 16):
        plsc.store_scatter(inset_v, [cidx_v[pl.ds(i * 16, 16)]], one16)

    mn16 = mn_v[pl.ds(0, _CB)]

    @plsc.parallel_loop(0, _MM, 1, unroll=16)
    def _mbody(m):
        col = jnp.zeros((16,), jnp.int32) + m
        members = plsc.load_gather(c2n_v, [iota16, col])
        neigh = plsc.load_gather(n2c_v, [members])
        inset = plsc.load_gather(inset_v, [neigh])
        keep = (mn16 > m) & (inset > 0)
        score = plsc.load_gather(ms_v, [iota16, col])
        w = jnp.where(keep, score, zf16)
        plsc.addupdate_scatter(arow_v, [iota16, neigh], w)

    for j in range(_NB // 16):
        nid = nodes_v[pl.ds(j * 16, 16)]
        cn = plsc.load_gather(n2c_v, [nid])
        flag = plsc.load_gather(inset_v, [cn])
        enc = cn + (1 - flag) * _C
        plsc.store_scatter(cn_v, [iota16 + (j * 16), zi16], enc)

    out_copies = [
        pltpu.async_copy(arow_v, a_hbm.at[pl.ds(cbase, _CB)], sem_out),
        pltpu.async_copy(cn_v, cn_hbm.at[pl.ds(nbase, _NB)], sem_out),
    ]
    gather.wait()
    out_copies.append(
        pltpu.async_copy(rows_v, ce_hbm.at[pl.ds(nbase, _NB)], sem_out))
    for cp in out_copies:
        cp.wait()


def _tc_body(a_ref, e_ref, cn_ref, ce_ref, ne_ref,
             w1_ref, b1_ref, w2_ref, b2_ref, v1_ref, c1_ref, v2_ref, c2_ref,
             o_ref):
    f32 = jnp.float32
    dot = functools.partial(jnp.dot, preferred_element_type=f32)

    comm_emb = dot(a_ref[...], e_ref[...])
    iota = lax.broadcasted_iota(jnp.int32, (_N, _C), 1)
    onehot = (cn_ref[...] == iota).astype(f32)
    member = dot(onehot, comm_emb)

    w1 = w1_ref[...]
    h = (dot(ne_ref[...], w1[0:_D]) + dot(ce_ref[...], w1[_D:2 * _D])
         + dot(member, w1[2 * _D:3 * _D]) + b1_ref[...])
    h = jnp.maximum(h, 0.0)
    p1 = dot(h, w2_ref[...]) + b2_ref[...]

    h2 = jnp.maximum(dot(ne_ref[...], v1_ref[...]) + c1_ref[...], 0.0)
    p2 = dot(h2, v2_ref[...]) + c2_ref[...]

    o_ref[...] = jnp.where(cn_ref[...] < _C, p1, p2)


_tc_stage = pl.pallas_call(
    _tc_body,
    grid=(1,),
    in_specs=[
        pl.BlockSpec((_C, _C), lambda i: (0, 0)),
        pl.BlockSpec((_C, _D), lambda i: (0, 0)),
        pl.BlockSpec((_N, 1), lambda i: (0, 0)),
        pl.BlockSpec((_N, _D), lambda i: (0, 0)),
        pl.BlockSpec((_N, _D), lambda i: (0, 0)),
        pl.BlockSpec((3 * _D, _D), lambda i: (0, 0)),
        pl.BlockSpec((1, _D), lambda i: (0, 0)),
        pl.BlockSpec((_D, 1), lambda i: (0, 0)),
        pl.BlockSpec((1, 1), lambda i: (0, 0)),
        pl.BlockSpec((_D, _D // 2), lambda i: (0, 0)),
        pl.BlockSpec((1, _D // 2), lambda i: (0, 0)),
        pl.BlockSpec((_D // 2, 1), lambda i: (0, 0)),
        pl.BlockSpec((1, 1), lambda i: (0, 0)),
    ],
    out_shape=jax.ShapeDtypeStruct((_N, 1), jnp.float32),
    out_specs=pl.BlockSpec((_N, 1), lambda i: (0, 0)),
)


def kernel(node_emb, node2community, community2node, member_score, member_num,
           community_embeddings, community_index, nodes,
           W1, b1, W2, b2, V1, c1, V2, c2):
    a_mat, cn, ce = _sc_stage(
        node2community, community2node, member_score, member_num,
        community_index, nodes, community_embeddings)

    pred = _tc_stage(
        a_mat, community_embeddings,
        cn, ce, node_emb,
        W1, b1.reshape(1, _D), W2, b2.reshape(1, 1),
        V1, c1.reshape(1, _D // 2), V2, c2.reshape(1, 1))
    return pred.reshape(_N)

# --- scband reference (transcript-rebuilt; emitter-appended) ---
"""Pipeline reference for scband-attention-with-community-44899588112465 (READ-ONLY COPY).

The authoritative reference and input builder live on the scoring server;
editing this copy changes nothing except your own understanding.
"""

import jax, jax.numpy as jnp
import numpy as np

N = 1024
D = 256
M = 4096
C = 512
MM = 64
K = 256


def setup_inputs(seed: int = 0) -> dict:
    key = jax.random.key(seed)
    ks = jax.random.split(key, 16)
    node_emb = jax.random.normal(ks[0], (N, D), dtype=jnp.float32)
    node2community = jax.random.randint(ks[1], (M,), 0, C)
    community2node = jax.random.randint(ks[2], (C, MM), 0, M)
    member_score = jax.random.uniform(ks[3], (C, MM), dtype=jnp.float32)
    member_num = jax.random.randint(ks[4], (C,), 0, MM)
    community_embeddings = jax.random.normal(ks[5], (M, D), dtype=jnp.float32)
    community_index = jax.random.randint(ks[6], (K,), 0, C)
    nodes = jax.random.randint(ks[7], (N,), 0, M)
    W1 = jax.random.normal(ks[8], (3 * D, D), dtype=jnp.float32) * 0.02
    b1 = jnp.zeros((D,), dtype=jnp.float32)
    W2 = jax.random.normal(ks[9], (D, 1), dtype=jnp.float32) * 0.02
    b2 = jnp.zeros((1,), dtype=jnp.float32)
    V1 = jax.random.normal(ks[10], (D, D // 2), dtype=jnp.float32) * 0.02
    c1 = jnp.zeros((D // 2,), dtype=jnp.float32)
    V2 = jax.random.normal(ks[11], (D // 2, 1), dtype=jnp.float32) * 0.02
    c2 = jnp.zeros((1,), dtype=jnp.float32)
    return {
        'node_emb': node_emb,
        'node2community': node2community,
        'community2node': community2node,
        'member_score': member_score,
        'member_num': member_num,
        'community_embeddings': community_embeddings,
        'community_index': community_index,
        'nodes': nodes,
        'W1': W1, 'b1': b1, 'W2': W2, 'b2': b2,
        'V1': V1, 'c1': c1, 'V2': V2, 'c2': c2,
    }


def reference(node_emb, node2community, community2node, member_score, member_num,
              community_embeddings, community_index, nodes,
              W1, b1, W2, b2, V1, c1, V2, c2):
    community_nodes = node2community[nodes]         # [N] community id per query node
    use_index = (community_nodes[:, None] == community_index[None, :]).any(axis=1)

    community_emd = community_embeddings[nodes]     # [N, D]
    comm_rows = community2node[community_nodes]     # [N, MM]
    nodes_score = member_score[community_nodes]     # [N, MM]
    nums = member_num[community_nodes]              # [N]

    pos = jnp.arange(comm_rows.shape[1])
    within = pos[None, :] < nums[:, None]           # [N, MM]
    neighbors_com = node2community[comm_rows]       # [N, MM]
    neigh_in = (neighbors_com[:, :, None] == community_index[None, None, :]).any(axis=2)
    sel = within & neigh_in                         # [N, MM]
    score_masked = jnp.where(sel, nodes_score, jnp.zeros((), dtype=nodes_score.dtype))
    neighbors_com_emb = community_embeddings[neighbors_com]  # [N, MM, D]
    member_embedding = jnp.einsum('nm,nmd->nd', score_masked, neighbors_com_emb)

    emb = jnp.concatenate([node_emb, community_emd, member_embedding], axis=1)
    pred1 = (jax.nn.relu(emb @ W1 + b1) @ W2 + b2)[:, 0]
    pred2 = (jax.nn.relu(node_emb @ V1 + c1) @ V2 + c2)[:, 0]

    pred = jnp.where(use_index, pred1, pred2)
    return pred

if __name__ == "__main__":
    import jax
    _d = setup_inputs()
    print(jax.jit(kernel)(*tuple(_d.values())))

</pallas_src>

<mosaic_0001>
#map = affine_map<(d0, d1) -> (0)>
#map1 = affine_map<(d0, d1) -> (0, 0)>
module attributes {stable_mosaic.version = 14 : i64} {
  func.func @_sc_stage(%arg0: i32, %arg1: i32, %arg2: memref<4096xi32, #tpu.memory_space<hbm>>, %arg3: memref<512x64xi32, #tpu.memory_space<hbm>>, %arg4: memref<512x64xf32, #tpu.memory_space<hbm>>, %arg5: memref<512xi32, #tpu.memory_space<hbm>>, %arg6: memref<256xi32, #tpu.memory_space<hbm>>, %arg7: memref<1024xi32, #tpu.memory_space<hbm>>, %arg8: memref<4096x256xf32, #tpu.memory_space<hbm>>, %arg9: memref<512x512xf32, #tpu.memory_space<hbm>>, %arg10: memref<1024x1xi32, #tpu.memory_space<hbm>>, %arg11: memref<1024x256xf32, #tpu.memory_space<hbm>>, %arg12: memref<4096xi32, #tpu.memory_space<vmem>>, %arg13: memref<512xi32, #tpu.memory_space<vmem>>, %arg14: memref<256xi32, #tpu.memory_space<vmem>>, %arg15: memref<16x64xi32, #tpu.memory_space<vmem>>, %arg16: memref<16x64xf32, #tpu.memory_space<vmem>>, %arg17: memref<16xi32, #tpu.memory_space<vmem>>, %arg18: memref<16x512xf32, #tpu.memory_space<vmem>>, %arg19: memref<32xi32, #tpu.memory_space<vmem>>, %arg20: memref<32x1xi32, #tpu.memory_space<vmem>>, %arg21: memref<32x256xf32, #tpu.memory_space<vmem>>, %arg22: memref<!tpu.dma_semaphore, #tpu.memory_space<semaphore_mem>>, %arg23: memref<!tpu.dma_semaphore, #tpu.memory_space<semaphore_mem>>, %arg24: memref<!tpu.dma_semaphore, #tpu.memory_space<semaphore_mem>>) attributes {dimension_semantics = [#tpu.dimension_semantics<core_parallel>, #tpu.dimension_semantics<subcore_parallel>], iteration_bounds = array<i64: 2, 16>, scalar_prefetch = 0 : i64, scratch_operands = 13 : i64, tpu.core_type = #tpu.core_type<sc_vector_subcore>, window_params = [{transform_indices = #map}, {transform_indices = #map1}, {transform_indices = #map1}, {transform_indices = #map}, {transform_indices = #map}, {transform_indices = #map}, {transform_indices = #map1}, {transform_indices = #map1}, {transform_indices = #map1}, {transform_indices = #map1}]} {
    %mul3A = arith.constant 2 : i32
    %mul3A_0 = arith.muli %arg1, %mul3A : i32
    %add3A = arith.addi %mul3A_0, %arg0 : i32
    %mul3A_1 = arith.constant 16 : i32
    %mul3A_2 = arith.muli %add3A, %mul3A_1 : i32
    %mul3A_3 = arith.constant 32 : i32
    %mul3A_4 = arith.muli %add3A, %mul3A_3 : i32
    %dma_start3A = tpu.memref_slice %arg7[%mul3A_4] : memref<1024xi32, #tpu.memory_space<hbm>> -> memref<32xi32, #tpu.memory_space<hbm>>
    %dma_start3A_5 = tpu.memref_slice %arg7[%mul3A_4] : memref<1024xi32, #tpu.memory_space<hbm>> -> memref<32xi32, #tpu.memory_space<hbm>>
    tpu.enqueue_dma source(%dma_start3A_5 : memref<32xi32, #tpu.memory_space<hbm>>) target(%arg19 : memref<32xi32, #tpu.memory_space<vmem>>) target_semaphore(%arg23 : memref<!tpu.dma_semaphore, #tpu.memory_space<semaphore_mem>>)
    tpu.enqueue_dma source(%arg2 : memref<4096xi32, #tpu.memory_space<hbm>>) target(%arg12 : memref<4096xi32, #tpu.memory_space<vmem>>) target_semaphore(%arg23 : memref<!tpu.dma_semaphore, #tpu.memory_space<semaphore_mem>>)
    tpu.enqueue_dma source(%arg6 : memref<256xi32, #tpu.memory_space<hbm>>) target(%arg14 : memref<256xi32, #tpu.memory_space<vmem>>) target_semaphore(%arg23 : memref<!tpu.dma_semaphore, #tpu.memory_space<semaphore_mem>>)
    %dma_start3A_6 = arith.constant 0 : i32
    %dma_start3A_7 = tpu.memref_slice %arg3[%mul3A_2, %dma_start3A_6] : memref<512x64xi32, #tpu.memory_space<hbm>> -> memref<16x64xi32, #tpu.memory_space<hbm>>
    %dma_start3A_8 = arith.constant 0 : i32
    %dma_start3A_9 = tpu.memref_slice %arg3[%mul3A_2, %dma_start3A_8] : memref<512x64xi32, #tpu.memory_space<hbm>> -> memref<16x64xi32, #tpu.memory_space<hbm>>
    tpu.enqueue_dma source(%dma_start3A_9 : memref<16x64xi32, #tpu.memory_space<hbm>>) target(%arg15 : memref<16x64xi32, #tpu.memory_space<vmem>>) target_semaphore(%arg23 : memref<!tpu.dma_semaphore, #tpu.memory_space<semaphore_mem>>)
    %dma_start3A_10 = arith.constant 0 : i32
    %dma_start3A_11 = tpu.memref_slice %arg4[%mul3A_2, %dma_start3A_10] : memref<512x64xf32, #tpu.memory_space<hbm>> -> memref<16x64xf32, #tpu.memory_space<hbm>>
    %dma_start3A_12 = arith.constant 0 : i32
    %dma_start3A_13 = tpu.memref_slice %arg4[%mul3A_2, %dma_start3A_12] : memref<512x64xf32, #tpu.memory_space<hbm>> -> memref<16x64xf32, #tpu.memory_space<hbm>>
    tpu.enqueue_dma source(%dma_start3A_13 : memref<16x64xf32, #tpu.memory_space<hbm>>) target(%arg16 : memref<16x64xf32, #tpu.memory_space<vmem>>) target_semaphore(%arg23 : memref<!tpu.dma_semaphore, #tpu.memory_space<semaphore_mem>>)
    %dma_start3A_14 = tpu.memref_slice %arg5[%mul3A_2] : memref<512xi32, #tpu.memory_space<hbm>> -> memref<16xi32, #tpu.memory_space<hbm>>
    %dma_start3A_15 = tpu.memref_slice %arg5[%mul3A_2] : memref<512xi32, #tpu.memory_space<hbm>> -> memref<16xi32, #tpu.memory_space<hbm>>
    tpu.enqueue_dma source(%dma_start3A_15 : memref<16xi32, #tpu.memory_space<hbm>>) target(%arg17 : memref<16xi32, #tpu.memory_space<vmem>>) target_semaphore(%arg23 : memref<!tpu.dma_semaphore, #tpu.memory_space<semaphore_mem>>)
    %broadcast_in_dim3A = arith.constant 0 : i32
    %broadcast_in_dim3A_16 = vector.broadcast %broadcast_in_dim3A : i32 to vector<16xi32>
    %broadcast_in_dim3A_17 = arith.constant 0.000000e+00 : f32
    %broadcast_in_dim3A_18 = vector.broadcast %broadcast_in_dim3A_17 : f32 to vector<16xf32>
    %broadcast_in_dim3A_19 = arith.constant 1 : i32
    %broadcast_in_dim3A_20 = vector.broadcast %broadcast_in_dim3A_19 : i32 to vector<16xi32>
    %iota3A = tpu.iota {dimensions = array<i32: 0>} : vector<16xi32>
    %parallel_loop3A = arith.constant 0 : i32
    %parallel_loop3A_21 = arith.constant 16 : i32
    %parallel_loop3A_22 = arith.constant 1 : i32
    scf.for %parallel_loop3A_189 = %parallel_loop3A to %parallel_loop3A_21 step %parallel_loop3A_22  : i32 {
      %parallel_loop3A_190 = arith.index_cast %parallel_loop3A_189 : i32 to index
      %parallel_loop3A_191 = arith.constant 0 : index
      %parallel_loop3A_192 = tpu.vector_load %arg18[%parallel_loop3A_190, %parallel_loop3A_191] {strides = array<i32>} : memref<16x512xf32, #tpu.memory_space<vmem>>, vector<16xf32>,
      tpu.vector_store %arg18[%parallel_loop3A_190, %parallel_loop3A_191], %broadcast_in_dim3A_18 {strides = array<i32>} : memref<16x512xf32, #tpu.memory_space<vmem>>, vector<16xf32>,
      %parallel_loop3A_193 = arith.index_cast %parallel_loop3A_189 : i32 to index
      %parallel_loop3A_194 = arith.constant 16 : index
      %parallel_loop3A_195 = tpu.vector_load %arg18[%parallel_loop3A_193, %parallel_loop3A_194] {strides = array<i32>} : memref<16x512xf32, #tpu.memory_space<vmem>>, vector<16xf32>,
      tpu.vector_store %arg18[%parallel_loop3A_193, %parallel_loop3A_194], %broadcast_in_dim3A_18 {strides = array<i32>} : memref<16x512xf32, #tpu.memory_space<vmem>>, vector<16xf32>,
      %parallel_loop3A_196 = arith.index_cast %parallel_loop3A_189 : i32 to index
      %parallel_loop3A_197 = arith.constant 32 : index
      %parallel_loop3A_198 = tpu.vector_load %arg18[%parallel_loop3A_196, %parallel_loop3A_197] {strides = array<i32>} : memref<16x512xf32, #tpu.memory_space<vmem>>, vector<16xf32>,
      tpu.vector_store %arg18[%parallel_loop3A_196, %parallel_loop3A_197], %broadcast_in_dim3A_18 {strides = array<i32>} : memref<16x512xf32, #tpu.memory_space<vmem>>, vector<16xf32>,
      %parallel_loop3A_199 = arith.index_cast %parallel_loop3A_189 : i32 to index
      %parallel_loop3A_200 = arith.constant 48 : index
      %parallel_loop3A_201 = tpu.vector_load %arg18[%parallel_loop3A_199, %parallel_loop3A_200] {strides = array<i32>} : memref<16x512xf32, #tpu.memory_space<vmem>>, vector<16xf32>,
      tpu.vector_store %arg18[%parallel_loop3A_199, %parallel_loop3A_200], %broadcast_in_dim3A_18 {strides = array<i32>} : memref<16x512xf32, #tpu.memory_space<vmem>>, vector<16xf32>,
      %parallel_loop3A_202 = arith.index_cast %parallel_loop3A_189 : i32 to index
      %parallel_loop3A_203 = arith.constant 64 : index
      %parallel_loop3A_204 = tpu.vector_load %arg18[%parallel_loop3A_202, %parallel_loop3A_203] {strides = array<i32>} : memref<16x512xf32, #tpu.memory_space<vmem>>, vector<16xf32>,
      tpu.vector_store %arg18[%parallel_loop3A_202, %parallel_loop3A_203], %broadcast_in_dim3A_18 {strides = array<i32>} : memref<16x512xf32, #tpu.memory_space<vmem>>, vector<16xf32>,
      %parallel_loop3A_205 = arith.index_cast %parallel_loop3A_189 : i32 to index
      %parallel_loop3A_206 = arith.constant 80 : index
      %parallel_loop3A_207 = tpu.vector_load %arg18[%parallel_loop3A_205, %parallel_loop3A_206] {strides = array<i32>} : memref<16x512xf32, #tpu.memory_space<vmem>>, vector<16xf32>,
      tpu.vector_store %arg18[%parallel_loop3A_205, %parallel_loop3A_206], %broadcast_in_dim3A_18 {strides = array<i32>} : memref<16x512xf32, #tpu.memory_space<vmem>>, vector<16xf32>,
      %parallel_loop3A_208 = arith.index_cast %parallel_loop3A_189 : i32 to index
      %parallel_loop3A_209 = arith.constant 96 : index
      %parallel_loop3A_210 = tpu.vector_load %arg18[%parallel_loop3A_208, %parallel_loop3A_209] {strides = array<i32>} : memref<16x512xf32, #tpu.memory_space<vmem>>, vector<16xf32>,
      tpu.vector_store %arg18[%parallel_loop3A_208, %parallel_loop3A_209], %broadcast_in_dim3A_18 {strides = array<i32>} : memref<16x512xf32, #tpu.memory_space<vmem>>, vector<16xf32>,
      %parallel_loop3A_211 = arith.index_cast %parallel_loop3A_189 : i32 to index
      %parallel_loop3A_212 = arith.constant 112 : index
      %parallel_loop3A_213 = tpu.vector_load %arg18[%parallel_loop3A_211, %parallel_loop3A_212] {strides = array<i32>} : memref<16x512xf32, #tpu.memory_space<vmem>>, vector<16xf32>,
      tpu.vector_store %arg18[%parallel_loop3A_211, %parallel_loop3A_212], %broadcast_in_dim3A_18 {strides = array<i32>} : memref<16x512xf32, #tpu.memory_space<vmem>>, vector<16xf32>,
      %parallel_loop3A_214 = arith.index_cast %parallel_loop3A_189 : i32 to index
      %parallel_loop3A_215 = arith.constant 128 : index
      %parallel_loop3A_216 = tpu.vector_load %arg18[%parallel_loop3A_214, %parallel_loop3A_215] {strides = array<i32>} : memref<16x512xf32, #tpu.memory_space<vmem>>, vector<16xf32>,
      tpu.vector_store %arg18[%parallel_loop3A_214, %parallel_loop3A_215], %broadcast_in_dim3A_18 {strides = array<i32>} : memref<16x512xf32, #tpu.memory_space<vmem>>, vector<16xf32>,
      %parallel_loop3A_217 = arith.index_cast %parallel_loop3A_189 : i32 to index
      %parallel_loop3A_218 = arith.constant 144 : index
      %parallel_loop3A_219 = tpu.vector_load %arg18[%parallel_loop3A_217, %parallel_loop3A_218] {strides = array<i32>} : memref<16x512xf32, #tpu.memory_space<vmem>>, vector<16xf32>,
      tpu.vector_store %arg18[%parallel_loop3A_217, %parallel_loop3A_218], %broadcast_in_dim3A_18 {strides = array<i32>} : memref<16x512xf32, #tpu.memory_space<vmem>>, vector<16xf32>,
      %parallel_loop3A_220 = arith.index_cast %parallel_loop3A_189 : i32 to index
      %parallel_loop3A_221 = arith.constant 160 : index
      %parallel_loop3A_222 = tpu.vector_load %arg18[%parallel_loop3A_220, %parallel_loop3A_221] {strides = array<i32>} : memref<16x512xf32, #tpu.memory_space<vmem>>, vector<16xf32>,
      tpu.vector_store %arg18[%parallel_loop3A_220, %parallel_loop3A_221], %broadcast_in_dim3A_18 {strides = array<i32>} : memref<16x512xf32, #tpu.memory_space<vmem>>, vector<16xf32>,
      %parallel_loop3A_223 = arith.index_cast %parallel_loop3A_189 : i32 to index
      %parallel_loop3A_224 = arith.constant 176 : index
      %parallel_loop3A_225 = tpu.vector_load %arg18[%parallel_loop3A_223, %parallel_loop3A_224] {strides = array<i32>} : memref<16x512xf32, #tpu.memory_space<vmem>>, vector<16xf32>,
      tpu.vector_store %arg18[%parallel_loop3A_223, %parallel_loop3A_224], %broadcast_in_dim3A_18 {strides = array<i32>} : memref<16x512xf32, #tpu.memory_space<vmem>>, vector<16xf32>,
      %parallel_loop3A_226 = arith.index_cast %parallel_loop3A_189 : i32 to index
      %parallel_loop3A_227 = arith.constant 192 : index
      %parallel_loop3A_228 = tpu.vector_load %arg18[%parallel_loop3A_226, %parallel_loop3A_227] {strides = array<i32>} : memref<16x512xf32, #tpu.memory_space<vmem>>, vector<16xf32>,
      tpu.vector_store %arg18[%parallel_loop3A_226, %parallel_loop3A_227], %broadcast_in_dim3A_18 {strides = array<i32>} : memref<16x512xf32, #tpu.memory_space<vmem>>, vector<16xf32>,
      %parallel_loop3A_229 = arith.index_cast %parallel_loop3A_189 : i32 to index
      %parallel_loop3A_230 = arith.constant 208 : index
      %parallel_loop3A_231 = tpu.vector_load %arg18[%parallel_loop3A_229, %parallel_loop3A_230] {strides = array<i32>} : memref<16x512xf32, #tpu.memory_space<vmem>>, vector<16xf32>,
      tpu.vector_store %arg18[%parallel_loop3A_229, %parallel_loop3A_230], %broadcast_in_dim3A_18 {strides = array<i32>} : memref<16x512xf32, #tpu.memory_space<vmem>>, vector<16xf32>,
      %parallel_loop3A_232 = arith.index_cast %parallel_loop3A_189 : i32 to index
      %parallel_loop3A_233 = arith.constant 224 : index
      %parallel_loop3A_234 = tpu.vector_load %arg18[%parallel_loop3A_232, %parallel_loop3A_233] {strides = array<i32>} : memref<16x512xf32, #tpu.memory_space<vmem>>, vector<16xf32>,
      tpu.vector_store %arg18[%parallel_loop3A_232, %parallel_loop3A_233], %broadcast_in_dim3A_18 {strides = array<i32>} : memref<16x512xf32, #tpu.memory_space<vmem>>, vector<16xf32>,
      %parallel_loop3A_235 = arith.index_cast %parallel_loop3A_189 : i32 to index
      %parallel_loop3A_236 = arith.constant 240 : index
      %parallel_loop3A_237 = tpu.vector_load %arg18[%parallel_loop3A_235, %parallel_loop3A_236] {strides = array<i32>} : memref<16x512xf32, #tpu.memory_space<vmem>>, vector<16xf32>,
      tpu.vector_store %arg18[%parallel_loop3A_235, %parallel_loop3A_236], %broadcast_in_dim3A_18 {strides = array<i32>} : memref<16x512xf32, #tpu.memory_space<vmem>>, vector<16xf32>,
      %parallel_loop3A_238 = arith.index_cast %parallel_loop3A_189 : i32 to index
      %parallel_loop3A_239 = arith.constant 256 : index
      %parallel_loop3A_240 = tpu.vector_load %arg18[%parallel_loop3A_238, %parallel_loop3A_239] {strides = array<i32>} : memref<16x512xf32, #tpu.memory_space<vmem>>, vector<16xf32>,
      tpu.vector_store %arg18[%parallel_loop3A_238, %parallel_loop3A_239], %broadcast_in_dim3A_18 {strides = array<i32>} : memref<16x512xf32, #tpu.memory_space<vmem>>, vector<16xf32>,
      %parallel_loop3A_241 = arith.index_cast %parallel_loop3A_189 : i32 to index
      %parallel_loop3A_242 = arith.constant 272 : index
      %parallel_loop3A_243 = tpu.vector_load %arg18[%parallel_loop3A_241, %parallel_loop3A_242] {strides = array<i32>} : memref<16x512xf32, #tpu.memory_space<vmem>>, vector<16xf32>,
      tpu.vector_store %arg18[%parallel_loop3A_241, %parallel_loop3A_242], %broadcast_in_dim3A_18 {strides = array<i32>} : memref<16x512xf32, #tpu.memory_space<vmem>>, vector<16xf32>,
      %parallel_loop3A_244 = arith.index_cast %parallel_loop3A_189 : i32 to index
      %parallel_loop3A_245 = arith.constant 288 : index
      %parallel_loop3A_246 = tpu.vector_load %arg18[%parallel_loop3A_244, %parallel_loop3A_245] {strides = array<i32>} : memref<16x512xf32, #tpu.memory_space<vmem>>, vector<16xf32>,
      tpu.vector_store %arg18[%parallel_loop3A_244, %parallel_loop3A_245], %broadcast_in_dim3A_18 {strides = array<i32>} : memref<16x512xf32, #tpu.memory_space<vmem>>, vector<16xf32>,
      %parallel_loop3A_247 = arith.index_cast %parallel_loop3A_189 : i32 to index
      %parallel_loop3A_248 = arith.constant 304 : index
      %parallel_loop3A_249 = tpu.vector_load %arg18[%parallel_loop3A_247, %parallel_loop3A_248] {strides = array<i32>} : memref<16x512xf32, #tpu.memory_space<vmem>>, vector<16xf32>,
      tpu.vector_store %arg18[%parallel_loop3A_247, %parallel_loop3A_248], %broadcast_in_dim3A_18 {strides = array<i32>} : memref<16x512xf32, #tpu.memory_space<vmem>>, vector<16xf32>,
      %parallel_loop3A_250 = arith.index_cast %parallel_loop3A_189 : i32 to index
      %parallel_loop3A_251 = arith.constant 320 : index
      %parallel_loop3A_252 = tpu.vector_load %arg18[%parallel_loop3A_250, %parallel_loop3A_251] {strides = array<i32>} : memref<16x512xf32, #tpu.memory_space<vmem>>, vector<16xf32>,
      tpu.vector_store %arg18[%parallel_loop3A_250, %parallel_loop3A_251], %broadcast_in_dim3A_18 {strides = array<i32>} : memref<16x512xf32, #tpu.memory_space<vmem>>, vector<16xf32>,
      %parallel_loop3A_253 = arith.index_cast %parallel_loop3A_189 : i32 to index
      %parallel_loop3A_254 = arith.constant 336 : index
      %parallel_loop3A_255 = tpu.vector_load %arg18[%parallel_loop3A_253, %parallel_loop3A_254] {strides = array<i32>} : memref<16x512xf32, #tpu.memory_space<vmem>>, vector<16xf32>,
      tpu.vector_store %arg18[%parallel_loop3A_253, %parallel_loop3A_254], %broadcast_in_dim3A_18 {strides = array<i32>} : memref<16x512xf32, #tpu.memory_space<vmem>>, vector<16xf32>,
      %parallel_loop3A_256 = arith.index_cast %parallel_loop3A_189 : i32 to index
      %parallel_loop3A_257 = arith.constant 352 : index
      %parallel_loop3A_258 = tpu.vector_load %arg18[%parallel_loop3A_256, %parallel_loop3A_257] {strides = array<i32>} : memref<16x512xf32, #tpu.memory_space<vmem>>, vector<16xf32>,
      tpu.vector_store %arg18[%parallel_loop3A_256, %parallel_loop3A_257], %broadcast_in_dim3A_18 {strides = array<i32>} : memref<16x512xf32, #tpu.memory_space<vmem>>, vector<16xf32>,
      %parallel_loop3A_259 = arith.index_cast %parallel_loop3A_189 : i32 to index
      %parallel_loop3A_260 = arith.constant 368 : index
      %parallel_loop3A_261 = tpu.vector_load %arg18[%parallel_loop3A_259, %parallel_loop3A_260] {strides = array<i32>} : memref<16x512xf32, #tpu.memory_space<vmem>>, vector<16xf32>,
      tpu.vector_store %arg18[%parallel_loop3A_259, %parallel_loop3A_260], %broadcast_in_dim3A_18 {strides = array<i32>} : memref<16x512xf32, #tpu.memory_space<vmem>>, vector<16xf32>,
      %parallel_loop3A_262 = arith.index_cast %parallel_loop3A_189 : i32 to index
      %parallel_loop3A_263 = arith.constant 384 : index
      %parallel_loop3A_264 = tpu.vector_load %arg18[%parallel_loop3A_262, %parallel_loop3A_263] {strides = array<i32>} : memref<16x512xf32, #tpu.memory_space<vmem>>, vector<16xf32>,
      tpu.vector_store %arg18[%parallel_loop3A_262, %parallel_loop3A_263], %broadcast_in_dim3A_18 {strides = array<i32>} : memref<16x512xf32, #tpu.memory_space<vmem>>, vector<16xf32>,
      %parallel_loop3A_265 = arith.index_cast %parallel_loop3A_189 : i32 to index
      %parallel_loop3A_266 = arith.constant 400 : index
      %parallel_loop3A_267 = tpu.vector_load %arg18[%parallel_loop3A_265, %parallel_loop3A_266] {strides = array<i32>} : memref<16x512xf32, #tpu.memory_space<vmem>>, vector<16xf32>,
      tpu.vector_store %arg18[%parallel_loop3A_265, %parallel_loop3A_266], %broadcast_in_dim3A_18 {strides = array<i32>} : memref<16x512xf32, #tpu.memory_space<vmem>>, vector<16xf32>,
      %parallel_loop3A_268 = arith.index_cast %parallel_loop3A_189 : i32 to index
      %parallel_loop3A_269 = arith.constant 416 : index
      %parallel_loop3A_270 = tpu.vector_load %arg18[%parallel_loop3A_268, %parallel_loop3A_269] {strides = array<i32>} : memref<16x512xf32, #tpu.memory_space<vmem>>, vector<16xf32>,
      tpu.vector_store %arg18[%parallel_loop3A_268, %parallel_loop3A_269], %broadcast_in_dim3A_18 {strides = array<i32>} : memref<16x512xf32, #tpu.memory_space<vmem>>, vector<16xf32>,
      %parallel_loop3A_271 = arith.index_cast %parallel_loop3A_189 : i32 to index
      %parallel_loop3A_272 = arith.constant 432 : index
      %parallel_loop3A_273 = tpu.vector_load %arg18[%parallel_loop3A_271, %parallel_loop3A_272] {strides = array<i32>} : memref<16x512xf32, #tpu.memory_space<vmem>>, vector<16xf32>,
      tpu.vector_store %arg18[%parallel_loop3A_271, %parallel_loop3A_272], %broadcast_in_dim3A_18 {strides = array<i32>} : memref<16x512xf32, #tpu.memory_space<vmem>>, vector<16xf32>,
      %parallel_loop3A_274 = arith.index_cast %parallel_loop3A_189 : i32 to index
      %parallel_loop3A_275 = arith.constant 448 : index
      %parallel_loop3A_276 = tpu.vector_load %arg18[%parallel_loop3A_274, %parallel_loop3A_275] {strides = array<i32>} : memref<16x512xf32, #tpu.memory_space<vmem>>, vector<16xf32>,
      tpu.vector_store %arg18[%parallel_loop3A_274, %parallel_loop3A_275], %broadcast_in_dim3A_18 {strides = array<i32>} : memref<16x512xf32, #tpu.memory_space<vmem>>, vector<16xf32>,
      %parallel_loop3A_277 = arith.index_cast %parallel_loop3A_189 : i32 to index
      %parallel_loop3A_278 = arith.constant 464 : index
      %parallel_loop3A_279 = tpu.vector_load %arg18[%parallel_loop3A_277, %parallel_loop3A_278] {strides = array<i32>} : memref<16x512xf32, #tpu.memory_space<vmem>>, vector<16xf32>,
      tpu.vector_store %arg18[%parallel_loop3A_277, %parallel_loop3A_278], %broadcast_in_dim3A_18 {strides = array<i32>} : memref<16x512xf32, #tpu.memory_space<vmem>>, vector<16xf32>,
      %parallel_loop3A_280 = arith.index_cast %parallel_loop3A_189 : i32 to index
      %parallel_loop3A_281 = arith.constant 480 : index
      %parallel_loop3A_282 = tpu.vector_load %arg18[%parallel_loop3A_280, %parallel_loop3A_281] {strides = array<i32>} : memref<16x512xf32, #tpu.memory_space<vmem>>, vector<16xf32>,
      tpu.vector_store %arg18[%parallel_loop3A_280, %parallel_loop3A_281], %broadcast_in_dim3A_18 {strides = array<i32>} : memref<16x512xf32, #tpu.memory_space<vmem>>, vector<16xf32>,
      %parallel_loop3A_283 = arith.index_cast %parallel_loop3A_189 : i32 to index
      %parallel_loop3A_284 = arith.constant 496 : index
      %parallel_loop3A_285 = tpu.vector_load %arg18[%parallel_loop3A_283, %parallel_loop3A_284] {strides = array<i32>} : memref<16x512xf32, #tpu.memory_space<vmem>>, vector<16xf32>,
      tpu.vector_store %arg18[%parallel_loop3A_283, %parallel_loop3A_284], %broadcast_in_dim3A_18 {strides = array<i32>} : memref<16x512xf32, #tpu.memory_space<vmem>>, vector<16xf32>,
    } {sc.loop_unroll_factor = 2 : i64, sc.parallel_access}
    %swap3A = arith.constant 0 : index
    %swap3A_23 = tpu.vector_load %arg13[%swap3A] {strides = array<i32>} : memref<512xi32, #tpu.memory_space<vmem>>, vector<16xi32>,
    tpu.vector_store %arg13[%swap3A], %broadcast_in_dim3A_16 {strides = array<i32>} : memref<512xi32, #tpu.memory_space<vmem>>, vector<16xi32>,
    %swap3A_24 = arith.constant 16 : index
    %swap3A_25 = tpu.vector_load %arg13[%swap3A_24] {strides = array<i32>} : memref<512xi32, #tpu.memory_space<vmem>>, vector<16xi32>,
    tpu.vector_store %arg13[%swap3A_24], %broadcast_in_dim3A_16 {strides = array<i32>} : memref<512xi32, #tpu.memory_space<vmem>>, vector<16xi32>,
    %swap3A_26 = arith.constant 32 : index
    %swap3A_27 = tpu.vector_load %arg13[%swap3A_26] {strides = array<i32>} : memref<512xi32, #tpu.memory_space<vmem>>, vector<16xi32>,
    tpu.vector_store %arg13[%swap3A_26], %broadcast_in_dim3A_16 {strides = array<i32>} : memref<512xi32, #tpu.memory_space<vmem>>, vector<16xi32>,
    %swap3A_28 = arith.constant 48 : index
    %swap3A_29 = tpu.vector_load %arg13[%swap3A_28] {strides = array<i32>} : memref<512xi32, #tpu.memory_space<vmem>>, vector<16xi32>,
    tpu.vector_store %arg13[%swap3A_28], %broadcast_in_dim3A_16 {strides = array<i32>} : memref<512xi32, #tpu.memory_space<vmem>>, vector<16xi32>,
    %swap3A_30 = arith.constant 64 : index
    %swap3A_31 = tpu.vector_load %arg13[%swap3A_30] {strides = array<i32>} : memref<512xi32, #tpu.memory_space<vmem>>, vector<16xi32>,
    tpu.vector_store %arg13[%swap3A_30], %broadcast_in_dim3A_16 {strides = array<i32>} : memref<512xi32, #tpu.memory_space<vmem>>, vector<16xi32>,
    %swap3A_32 = arith.constant 80 : index
    %swap3A_33 = tpu.vector_load %arg13[%swap3A_32] {strides = array<i32>} : memref<512xi32, #tpu.memory_space<vmem>>, vector<16xi32>,
    tpu.vector_store %arg13[%swap3A_32], %broadcast_in_dim3A_16 {strides = array<i32>} : memref<512xi32, #tpu.memory_space<vmem>>, vector<16xi32>,
    %swap3A_34 = arith.constant 96 : index
    %swap3A_35 = tpu.vector_load %arg13[%swap3A_34] {strides = array<i32>} : memref<512xi32, #tpu.memory_space<vmem>>, vector<16xi32>,
    tpu.vector_store %arg13[%swap3A_34], %broadcast_in_dim3A_16 {strides = array<i32>} : memref<512xi32, #tpu.memory_space<vmem>>, vector<16xi32>,
    %swap3A_36 = arith.constant 112 : index
    %swap3A_37 = tpu.vector_load %arg13[%swap3A_36] {strides = array<i32>} : memref<512xi32, #tpu.memory_space<vmem>>, vector<16xi32>,
    tpu.vector_store %arg13[%swap3A_36], %broadcast_in_dim3A_16 {strides = array<i32>} : memref<512xi32, #tpu.memory_space<vmem>>, vector<16xi32>,
    %swap3A_38 = arith.constant 128 : index
    %swap3A_39 = tpu.vector_load %arg13[%swap3A_38] {strides = array<i32>} : memref<512xi32, #tpu.memory_space<vmem>>, vector<16xi32>,
    tpu.vector_store %arg13[%swap3A_38], %broadcast_in_dim3A_16 {strides = array<i32>} : memref<512xi32, #tpu.memory_space<vmem>>, vector<16xi32>,
    %swap3A_40 = arith.constant 144 : index
    %swap3A_41 = tpu.vector_load %arg13[%swap3A_40] {strides = array<i32>} : memref<512xi32, #tpu.memory_space<vmem>>, vector<16xi32>,
    tpu.vector_store %arg13[%swap3A_40], %broadcast_in_dim3A_16 {strides = array<i32>} : memref<512xi32, #tpu.memory_space<vmem>>, vector<16xi32>,
    %swap3A_42 = arith.constant 160 : index
    %swap3A_43 = tpu.vector_load %arg13[%swap3A_42] {strides = array<i32>} : memref<512xi32, #tpu.memory_space<vmem>>, vector<16xi32>,
    tpu.vector_store %arg13[%swap3A_42], %broadcast_in_dim3A_16 {strides = array<i32>} : memref<512xi32, #tpu.memory_space<vmem>>, vector<16xi32>,
    %swap3A_44 = arith.constant 176 : index
    %swap3A_45 = tpu.vector_load %arg13[%swap3A_44] {strides = array<i32>} : memref<512xi32, #tpu.memory_space<vmem>>, vector<16xi32>,
    tpu.vector_store %arg13[%swap3A_44], %broadcast_in_dim3A_16 {strides = array<i32>} : memref<512xi32, #tpu.memory_space<vmem>>, vector<16xi32>,
    %swap3A_46 = arith.constant 192 : index
    %swap3A_47 = tpu.vector_load %arg13[%swap3A_46] {strides = array<i32>} : memref<512xi32, #tpu.memory_space<vmem>>, vector<16xi32>,
    tpu.vector_store %arg13[%swap3A_46], %broadcast_in_dim3A_16 {strides = array<i32>} : memref<512xi32, #tpu.memory_space<vmem>>, vector<16xi32>,
    %swap3A_48 = arith.constant 208 : index
    %swap3A_49 = tpu.vector_load %arg13[%swap3A_48] {strides = array<i32>} : memref<512xi32, #tpu.memory_space<vmem>>, vector<16xi32>,
    tpu.vector_store %arg13[%swap3A_48], %broadcast_in_dim3A_16 {strides = array<i32>} : memref<512xi32, #tpu.memory_space<vmem>>, vector<16xi32>,
    %swap3A_50 = arith.constant 224 : index
    %swap3A_51 = tpu.vector_load %arg13[%swap3A_50] {strides = array<i32>} : memref<512xi32, #tpu.memory_space<vmem>>, vector<16xi32>,
    tpu.vector_store %arg13[%swap3A_50], %broadcast_in_dim3A_16 {strides = array<i32>} : memref<512xi32, #tpu.memory_space<vmem>>, vector<16xi32>,
    %swap3A_52 = arith.constant 240 : index
    %swap3A_53 = tpu.vector_load %arg13[%swap3A_52] {strides = array<i32>} : memref<512xi32, #tpu.memory_space<vmem>>, vector<16xi32>,
    tpu.vector_store %arg13[%swap3A_52], %broadcast_in_dim3A_16 {strides = array<i32>} : memref<512xi32, #tpu.memory_space<vmem>>, vector<16xi32>,
    %swap3A_54 = arith.constant 256 : index
    %swap3A_55 = tpu.vector_load %arg13[%swap3A_54] {strides = array<i32>} : memref<512xi32, #tpu.memory_space<vmem>>, vector<16xi32>,
    tpu.vector_store %arg13[%swap3A_54], %broadcast_in_dim3A_16 {strides = array<i32>} : memref<512xi32, #tpu.memory_space<vmem>>, vector<16xi32>,
    %swap3A_56 = arith.constant 272 : index
    %swap3A_57 = tpu.vector_load %arg13[%swap3A_56] {strides = array<i32>} : memref<512xi32, #tpu.memory_space<vmem>>, vector<16xi32>,
    tpu.vector_store %arg13[%swap3A_56], %broadcast_in_dim3A_16 {strides = array<i32>} : memref<512xi32, #tpu.memory_space<vmem>>, vector<16xi32>,
    %swap3A_58 = arith.constant 288 : index
    %swap3A_59 = tpu.vector_load %arg13[%swap3A_58] {strides = array<i32>} : memref<512xi32, #tpu.memory_space<vmem>>, vector<16xi32>,
    tpu.vector_store %arg13[%swap3A_58], %broadcast_in_dim3A_16 {strides = array<i32>} : memref<512xi32, #tpu.memory_space<vmem>>, vector<16xi32>,
    %swap3A_60 = arith.constant 304 : index
    %swap3A_61 = tpu.vector_load %arg13[%swap3A_60] {strides = array<i32>} : memref<512xi32, #tpu.memory_space<vmem>>, vector<16xi32>,
    tpu.vector_store %arg13[%swap3A_60], %broadcast_in_dim3A_16 {strides = array<i32>} : memref<512xi32, #tpu.memory_space<vmem>>, vector<16xi32>,
    %swap3A_62 = arith.constant 320 : index
    %swap3A_63 = tpu.vector_load %arg13[%swap3A_62] {strides = array<i32>} : memref<512xi32, #tpu.memory_space<vmem>>, vector<16xi32>,
    tpu.vector_store %arg13[%swap3A_62], %broadcast_in_dim3A_16 {strides = array<i32>} : memref<512xi32, #tpu.memory_space<vmem>>, vector<16xi32>,
    %swap3A_64 = arith.constant 336 : index
    %swap3A_65 = tpu.vector_load %arg13[%swap3A_64] {strides = array<i32>} : memref<512xi32, #tpu.memory_space<vmem>>, vector<16xi32>,
    tpu.vector_store %arg13[%swap3A_64], %broadcast_in_dim3A_16 {strides = array<i32>} : memref<512xi32, #tpu.memory_space<vmem>>, vector<16xi32>,
    %swap3A_66 = arith.constant 352 : index
    %swap3A_67 = tpu.vector_load %arg13[%swap3A_66] {strides = array<i32>} : memref<512xi32, #tpu.memory_space<vmem>>, vector<16xi32>,
    tpu.vector_store %arg13[%swap3A_66], %broadcast_in_dim3A_16 {strides = array<i32>} : memref<512xi32, #tpu.memory_space<vmem>>, vector<16xi32>,
    %swap3A_68 = arith.constant 368 : index
    %swap3A_69 = tpu.vector_load %arg13[%swap3A_68] {strides = array<i32>} : memref<512xi32, #tpu.memory_space<vmem>>, vector<16xi32>,
    tpu.vector_store %arg13[%swap3A_68], %broadcast_in_dim3A_16 {strides = array<i32>} : memref<512xi32, #tpu.memory_space<vmem>>, vector<16xi32>,
    %swap3A_70 = arith.constant 384 : index
    %swap3A_71 = tpu.vector_load %arg13[%swap3A_70] {strides = array<i32>} : memref<512xi32, #tpu.memory_space<vmem>>, vector<16xi32>,
    tpu.vector_store %arg13[%swap3A_70], %broadcast_in_dim3A_16 {strides = array<i32>} : memref<512xi32, #tpu.memory_space<vmem>>, vector<16xi32>,
    %swap3A_72 = arith.constant 400 : index
    %swap3A_73 = tpu.vector_load %arg13[%swap3A_72] {strides = array<i32>} : memref<512xi32, #tpu.memory_space<vmem>>, vector<16xi32>,
    tpu.vector_store %arg13[%swap3A_72], %broadcast_in_dim3A_16 {strides = array<i32>} : memref<512xi32, #tpu.memory_space<vmem>>, vector<16xi32>,
    %swap3A_74 = arith.constant 416 : index
    %swap3A_75 = tpu.vector_load %arg13[%swap3A_74] {strides = array<i32>} : memref<512xi32, #tpu.memory_space<vmem>>, vector<16xi32>,
    tpu.vector_store %arg13[%swap3A_74], %broadcast_in_dim3A_16 {strides = array<i32>} : memref<512xi32, #tpu.memory_space<vmem>>, vector<16xi32>,
    %swap3A_76 = arith.constant 432 : index
    %swap3A_77 = tpu.vector_load %arg13[%swap3A_76] {strides = array<i32>} : memref<512xi32, #tpu.memory_space<vmem>>, vector<16xi32>,
    tpu.vector_store %arg13[%swap3A_76], %broadcast_in_dim3A_16 {strides = array<i32>} : memref<512xi32, #tpu.memory_space<vmem>>, vector<16xi32>,
    %swap3A_78 = arith.constant 448 : index
    %swap3A_79 = tpu.vector_load %arg13[%swap3A_78] {strides = array<i32>} : memref<512xi32, #tpu.memory_space<vmem>>, vector<16xi32>,
    tpu.vector_store %arg13[%swap3A_78], %broadcast_in_dim3A_16 {strides = array<i32>} : memref<512xi32, #tpu.memory_space<vmem>>, vector<16xi32>,
    %swap3A_80 = arith.constant 464 : index
    %swap3A_81 = tpu.vector_load %arg13[%swap3A_80] {strides = array<i32>} : memref<512xi32, #tpu.memory_space<vmem>>, vector<16xi32>,
    tpu.vector_store %arg13[%swap3A_80], %broadcast_in_dim3A_16 {strides = array<i32>} : memref<512xi32, #tpu.memory_space<vmem>>, vector<16xi32>,
    %swap3A_82 = arith.constant 480 : index
    %swap3A_83 = tpu.vector_load %arg13[%swap3A_82] {strides = array<i32>} : memref<512xi32, #tpu.memory_space<vmem>>, vector<16xi32>,
    tpu.vector_store %arg13[%swap3A_82], %broadcast_in_dim3A_16 {strides = array<i32>} : memref<512xi32, #tpu.memory_space<vmem>>, vector<16xi32>,
    %swap3A_84 = arith.constant 496 : index
    %swap3A_85 = tpu.vector_load %arg13[%swap3A_84] {strides = array<i32>} : memref<512xi32, #tpu.memory_space<vmem>>, vector<16xi32>,
    tpu.vector_store %arg13[%swap3A_84], %broadcast_in_dim3A_16 {strides = array<i32>} : memref<512xi32, #tpu.memory_space<vmem>>, vector<16xi32>,
    %dma_wait3A = tpu.memref_slice %arg7[%mul3A_4] : memref<1024xi32, #tpu.memory_space<hbm>> -> memref<32xi32, #tpu.memory_space<hbm>>
    %dma_wait3A_86 = tpu.memref_slice %arg7[%mul3A_4] : memref<1024xi32, #tpu.memory_space<hbm>> -> memref<32xi32, #tpu.memory_space<hbm>>
    tpu.wait_dma2 semaphore(%arg23 : memref<!tpu.dma_semaphore, #tpu.memory_space<semaphore_mem>>) src(%dma_wait3A_86 : memref<32xi32, #tpu.memory_space<hbm>>) dst(%arg19 : memref<32xi32, #tpu.memory_space<vmem>>)
    tpu.wait_dma2 semaphore(%arg23 : memref<!tpu.dma_semaphore, #tpu.memory_space<semaphore_mem>>) src(%arg2 : memref<4096xi32, #tpu.memory_space<hbm>>) dst(%arg12 : memref<4096xi32, #tpu.memory_space<vmem>>)
    tpu.wait_dma2 semaphore(%arg23 : memref<!tpu.dma_semaphore, #tpu.memory_space<semaphore_mem>>) src(%arg6 : memref<256xi32, #tpu.memory_space<hbm>>) dst(%arg14 : memref<256xi32, #tpu.memory_space<vmem>>)
    %dma_wait3A_87 = arith.constant 0 : i32
    %dma_wait3A_88 = tpu.memref_slice %arg3[%mul3A_2, %dma_wait3A_87] : memref<512x64xi32, #tpu.memory_space<hbm>> -> memref<16x64xi32, #tpu.memory_space<hbm>>
    %dma_wait3A_89 = arith.constant 0 : i32
    %dma_wait3A_90 = tpu.memref_slice %arg3[%mul3A_2, %dma_wait3A_89] : memref<512x64xi32, #tpu.memory_space<hbm>> -> memref<16x64xi32, #tpu.memory_space<hbm>>
    tpu.wait_dma2 semaphore(%arg23 : memref<!tpu.dma_semaphore, #tpu.memory_space<semaphore_mem>>) src(%dma_wait3A_90 : memref<16x64xi32, #tpu.memory_space<hbm>>) dst(%arg15 : memref<16x64xi32, #tpu.memory_space<vmem>>)
    %dma_wait3A_91 = arith.constant 0 : i32
    %dma_wait3A_92 = tpu.memref_slice %arg4[%mul3A_2, %dma_wait3A_91] : memref<512x64xf32, #tpu.memory_space<hbm>> -> memref<16x64xf32, #tpu.memory_space<hbm>>
    %dma_wait3A_93 = arith.constant 0 : i32
    %dma_wait3A_94 = tpu.memref_slice %arg4[%mul3A_2, %dma_wait3A_93] : memref<512x64xf32, #tpu.memory_space<hbm>> -> memref<16x64xf32, #tpu.memory_space<hbm>>
    tpu.wait_dma2 semaphore(%arg23 : memref<!tpu.dma_semaphore, #tpu.memory_space<semaphore_mem>>) src(%dma_wait3A_94 : memref<16x64xf32, #tpu.memory_space<hbm>>) dst(%arg16 : memref<16x64xf32, #tpu.memory_space<vmem>>)
    %dma_wait3A_95 = tpu.memref_slice %arg5[%mul3A_2] : memref<512xi32, #tpu.memory_space<hbm>> -> memref<16xi32, #tpu.memory_space<hbm>>
    %dma_wait3A_96 = tpu.memref_slice %arg5[%mul3A_2] : memref<512xi32, #tpu.memory_space<hbm>> -> memref<16xi32, #tpu.memory_space<hbm>>
    tpu.wait_dma2 semaphore(%arg23 : memref<!tpu.dma_semaphore, #tpu.memory_space<semaphore_mem>>) src(%dma_wait3A_96 : memref<16xi32, #tpu.memory_space<hbm>>) dst(%arg17 : memref<16xi32, #tpu.memory_space<vmem>>)
    %dma_start3A_97 = arith.constant 0 : i32
    %dma_start3A_98 = arith.constant 0 : i32
    %dma_start3A_99 = tpu.memref_slice %arg8[%dma_start3A_97, %dma_start3A_98] : memref<4096x256xf32, #tpu.memory_space<hbm>> -> memref<4096x256xf32, #tpu.memory_space<hbm>>
    tpu.enqueue_indirect_dma source(%dma_start3A_99 : memref<4096x256xf32, #tpu.memory_space<hbm>>) target(%arg21 : memref<32x256xf32, #tpu.memory_space<vmem>>) offsets(%arg19 : memref<32xi32, #tpu.memory_space<vmem>>) semaphore(%arg22 : memref<!tpu.dma_semaphore, #tpu.memory_space<semaphore_mem>>)
    %get3A = arith.constant 0 : index
    %get3A_100 = tpu.vector_load %arg14[%get3A] {strides = array<i32>} : memref<256xi32, #tpu.memory_space<vmem>>, vector<16xi32>,
    tpu.vector_store_idx %arg13[%get3A_100], %broadcast_in_dim3A_20 : memref<512xi32, #tpu.memory_space<vmem>>[vector<16xi32>], vector<16xi32>,
    %get3A_101 = arith.constant 16 : index
    %get3A_102 = tpu.vector_load %arg14[%get3A_101] {strides = array<i32>} : memref<256xi32, #tpu.memory_space<vmem>>, vector<16xi32>,
    tpu.vector_store_idx %arg13[%get3A_102], %broadcast_in_dim3A_20 : memref<512xi32, #tpu.memory_space<vmem>>[vector<16xi32>], vector<16xi32>,
    %get3A_103 = arith.constant 32 : index
    %get3A_104 = tpu.vector_load %arg14[%get3A_103] {strides = array<i32>} : memref<256xi32, #tpu.memory_space<vmem>>, vector<16xi32>,
    tpu.vector_store_idx %arg13[%get3A_104], %broadcast_in_dim3A_20 : memref<512xi32, #tpu.memory_space<vmem>>[vector<16xi32>], vector<16xi32>,
    %get3A_105 = arith.constant 48 : index
    %get3A_106 = tpu.vector_load %arg14[%get3A_105] {strides = array<i32>} : memref<256xi32, #tpu.memory_space<vmem>>, vector<16xi32>,
    tpu.vector_store_idx %arg13[%get3A_106], %broadcast_in_dim3A_20 : memref<512xi32, #tpu.memory_space<vmem>>[vector<16xi32>], vector<16xi32>,
    %get3A_107 = arith.constant 64 : index
    %get3A_108 = tpu.vector_load %arg14[%get3A_107] {strides = array<i32>} : memref<256xi32, #tpu.memory_space<vmem>>, vector<16xi32>,
    tpu.vector_store_idx %arg13[%get3A_108], %broadcast_in_dim3A_20 : memref<512xi32, #tpu.memory_space<vmem>>[vector<16xi32>], vector<16xi32>,
    %get3A_109 = arith.constant 80 : index
    %get3A_110 = tpu.vector_load %arg14[%get3A_109] {strides = array<i32>} : memref<256xi32, #tpu.memory_space<vmem>>, vector<16xi32>,
    tpu.vector_store_idx %arg13[%get3A_110], %broadcast_in_dim3A_20 : memref<512xi32, #tpu.memory_space<vmem>>[vector<16xi32>], vector<16xi32>,
    %get3A_111 = arith.constant 96 : index
    %get3A_112 = tpu.vector_load %arg14[%get3A_111] {strides = array<i32>} : memref<256xi32, #tpu.memory_space<vmem>>, vector<16xi32>,
    tpu.vector_store_idx %arg13[%get3A_112], %broadcast_in_dim3A_20 : memref<512xi32, #tpu.memory_space<vmem>>[vector<16xi32>], vector<16xi32>,
    %get3A_113 = arith.constant 112 : index
    %get3A_114 = tpu.vector_load %arg14[%get3A_113] {strides = array<i32>} : memref<256xi32, #tpu.memory_space<vmem>>, vector<16xi32>,
    tpu.vector_store_idx %arg13[%get3A_114], %broadcast_in_dim3A_20 : memref<512xi32, #tpu.memory_space<vmem>>[vector<16xi32>], vector<16xi32>,
    %get3A_115 = arith.constant 128 : index
    %get3A_116 = tpu.vector_load %arg14[%get3A_115] {strides = array<i32>} : memref<256xi32, #tpu.memory_space<vmem>>, vector<16xi32>,
    tpu.vector_store_idx %arg13[%get3A_116], %broadcast_in_dim3A_20 : memref<512xi32, #tpu.memory_space<vmem>>[vector<16xi32>], vector<16xi32>,
    %get3A_117 = arith.constant 144 : index
    %get3A_118 = tpu.vector_load %arg14[%get3A_117] {strides = array<i32>} : memref<256xi32, #tpu.memory_space<vmem>>, vector<16xi32>,
    tpu.vector_store_idx %arg13[%get3A_118], %broadcast_in_dim3A_20 : memref<512xi32, #tpu.memory_space<vmem>>[vector<16xi32>], vector<16xi32>,
    %get3A_119 = arith.constant 160 : index
    %get3A_120 = tpu.vector_load %arg14[%get3A_119] {strides = array<i32>} : memref<256xi32, #tpu.memory_space<vmem>>, vector<16xi32>,
    tpu.vector_store_idx %arg13[%get3A_120], %broadcast_in_dim3A_20 : memref<512xi32, #tpu.memory_space<vmem>>[vector<16xi32>], vector<16xi32>,
    %get3A_121 = arith.constant 176 : index
    %get3A_122 = tpu.vector_load %arg14[%get3A_121] {strides = array<i32>} : memref<256xi32, #tpu.memory_space<vmem>>, vector<16xi32>,
    tpu.vector_store_idx %arg13[%get3A_122], %broadcast_in_dim3A_20 : memref<512xi32, #tpu.memory_space<vmem>>[vector<16xi32>], vector<16xi32>,
    %get3A_123 = arith.constant 192 : index
    %get3A_124 = tpu.vector_load %arg14[%get3A_123] {strides = array<i32>} : memref<256xi32, #tpu.memory_space<vmem>>, vector<16xi32>,
    tpu.vector_store_idx %arg13[%get3A_124], %broadcast_in_dim3A_20 : memref<512xi32, #tpu.memory_space<vmem>>[vector<16xi32>], vector<16xi32>,
    %get3A_125 = arith.constant 208 : index
    %get3A_126 = tpu.vector_load %arg14[%get3A_125] {strides = array<i32>} : memref<256xi32, #tpu.memory_space<vmem>>, vector<16xi32>,
    tpu.vector_store_idx %arg13[%get3A_126], %broadcast_in_dim3A_20 : memref<512xi32, #tpu.memory_space<vmem>>[vector<16xi32>], vector<16xi32>,
    %get3A_127 = arith.constant 224 : index
    %get3A_128 = tpu.vector_load %arg14[%get3A_127] {strides = array<i32>} : memref<256xi32, #tpu.memory_space<vmem>>, vector<16xi32>,
    tpu.vector_store_idx %arg13[%get3A_128], %broadcast_in_dim3A_20 : memref<512xi32, #tpu.memory_space<vmem>>[vector<16xi32>], vector<16xi32>,
    %get3A_129 = arith.constant 240 : index
    %get3A_130 = tpu.vector_load %arg14[%get3A_129] {strides = array<i32>} : memref<256xi32, #tpu.memory_space<vmem>>, vector<16xi32>,
    tpu.vector_store_idx %arg13[%get3A_130], %broadcast_in_dim3A_20 : memref<512xi32, #tpu.memory_space<vmem>>[vector<16xi32>], vector<16xi32>,
    %get3A_131 = arith.constant 0 : index
    %get3A_132 = tpu.vector_load %arg17[%get3A_131] {strides = array<i32>} : memref<16xi32, #tpu.memory_space<vmem>>, vector<16xi32>,
    %parallel_loop3A_133 = arith.constant 0 : i32
    %parallel_loop3A_134 = arith.constant 64 : i32
    %parallel_loop3A_135 = arith.constant 1 : i32
    scf.for %parallel_loop3A_189 = %parallel_loop3A_133 to %parallel_loop3A_134 step %parallel_loop3A_135  : i32 {
      %parallel_loop3A_190 = arith.constant 0 : i32
      %parallel_loop3A_191 = vector.broadcast %parallel_loop3A_190 : i32 to vector<16xi32>
      %parallel_loop3A_192 = vector.broadcast %parallel_loop3A_189 : i32 to vector<16xi32>
      %parallel_loop3A_193 = arith.addi %parallel_loop3A_191, %parallel_loop3A_192 : vector<16xi32>
      %parallel_loop3A_194 = tpu.vector_load_idx %arg15[%iota3A, %parallel_loop3A_193] : memref<16x64xi32, #tpu.memory_space<vmem>>[vector<16xi32>, vector<16xi32>], vector<16xi32>,
      %parallel_loop3A_195 = tpu.vector_load_idx %arg12[%parallel_loop3A_194] : memref<4096xi32, #tpu.memory_space<vmem>>[vector<16xi32>], vector<16xi32>,
      %parallel_loop3A_196 = tpu.vector_load_idx %arg13[%parallel_loop3A_195] : memref<512xi32, #tpu.memory_space<vmem>>[vector<16xi32>], vector<16xi32>,
      %parallel_loop3A_197 = vector.broadcast %parallel_loop3A_189 : i32 to vector<16xi32>
      %parallel_loop3A_198 = arith.cmpi sgt, %get3A_132, %parallel_loop3A_197 : vector<16xi32>
      %parallel_loop3A_199 = arith.constant 0 : i32
      %parallel_loop3A_200 = vector.broadcast %parallel_loop3A_199 : i32 to vector<16xi32>
      %parallel_loop3A_201 = arith.cmpi sgt, %parallel_loop3A_196, %parallel_loop3A_200 : vector<16xi32>
      %parallel_loop3A_202 = arith.andi %parallel_loop3A_198, %parallel_loop3A_201 : vector<16xi1>
      %parallel_loop3A_203 = tpu.vector_load_idx %arg16[%iota3A, %parallel_loop3A_193] : memref<16x64xf32, #tpu.memory_space<vmem>>[vector<16xi32>, vector<16xi32>], vector<16xf32>,
      %parallel_loop3A_204 = arith.select %parallel_loop3A_202, %parallel_loop3A_203, %broadcast_in_dim3A_18 : vector<16xi1>, vector<16xf32>
      tpu.vector_store_idx %arg18[%iota3A, %parallel_loop3A_195], %parallel_loop3A_204 {add = true} : memref<16x512xf32, #tpu.memory_space<vmem>>[vector<16xi32>, vector<16xi32>], vector<16xf32>,
    } {sc.loop_unroll_factor = 16 : i64, sc.parallel_access}
    %get3A_136 = arith.constant 0 : index
    %get3A_137 = tpu.vector_load %arg19[%get3A_136] {strides = array<i32>} : memref<32xi32, #tpu.memory_space<vmem>>, vector<16xi32>,
    %gather3A = tpu.vector_load_idx %arg12[%get3A_137] : memref<4096xi32, #tpu.memory_space<vmem>>[vector<16xi32>], vector<16xi32>,
    %gather3A_138 = tpu.vector_load_idx %arg13[%gather3A] : memref<512xi32, #tpu.memory_space<vmem>>[vector<16xi32>], vector<16xi32>,
    %sub3A = arith.constant 1 : i32
    %sub3A_139 = vector.broadcast %sub3A : i32 to vector<16xi32>
    %sub3A_140 = arith.subi %sub3A_139, %gather3A_138 : vector<16xi32>
    %mul3A_141 = arith.constant 512 : i32
    %mul3A_142 = vector.broadcast %mul3A_141 : i32 to vector<16xi32>
    %mul3A_143 = arith.muli %sub3A_140, %mul3A_142 : vector<16xi32>
    %add3A_144 = arith.addi %gather3A, %mul3A_143 : vector<16xi32>
    %add3A_145 = arith.constant 0 : i32
    %add3A_146 = vector.broadcast %add3A_145 : i32 to vector<16xi32>
    %add3A_147 = arith.addi %iota3A, %add3A_146 : vector<16xi32>
    tpu.vector_store_idx %arg20[%add3A_147, %broadcast_in_dim3A_16], %add3A_144 : memref<32x1xi32, #tpu.memory_space<vmem>>[vector<16xi32>, vector<16xi32>], vector<16xi32>,
    %get3A_148 = arith.constant 16 : index
    %get3A_149 = tpu.vector_load %arg19[%get3A_148] {strides = array<i32>} : memref<32xi32, #tpu.memory_space<vmem>>, vector<16xi32>,
    %gather3A_150 = tpu.vector_load_idx %arg12[%get3A_149] : memref<4096xi32, #tpu.memory_space<vmem>>[vector<16xi32>], vector<16xi32>,
    %gather3A_151 = tpu.vector_load_idx %arg13[%gather3A_150] : memref<512xi32, #tpu.memory_space<vmem>>[vector<16xi32>], vector<16xi32>,
    %sub3A_152 = arith.constant 1 : i32
    %sub3A_153 = vector.broadcast %sub3A_152 : i32 to vector<16xi32>
    %sub3A_154 = arith.subi %sub3A_153, %gather3A_151 : vector<16xi32>
    %mul3A_155 = arith.constant 512 : i32
    %mul3A_156 = vector.broadcast %mul3A_155 : i32 to vector<16xi32>
    %mul3A_157 = arith.muli %sub3A_154, %mul3A_156 : vector<16xi32>
    %add3A_158 = arith.addi %gather3A_150, %mul3A_157 : vector<16xi32>
    %add3A_159 = arith.constant 16 : i32
    %add3A_160 = vector.broadcast %add3A_159 : i32 to vector<16xi32>
    %add3A_161 = arith.addi %iota3A, %add3A_160 : vector<16xi32>
    tpu.vector_store_idx %arg20[%add3A_161, %broadcast_in_dim3A_16], %add3A_158 : memref<32x1xi32, #tpu.memory_space<vmem>>[vector<16xi32>, vector<16xi32>], vector<16xi32>,
    %dma_start3A_162 = arith.constant 0 : i32
    %dma_start3A_163 = tpu.memref_slice %arg9[%mul3A_2, %dma_start3A_162] : memref<512x512xf32, #tpu.memory_space<hbm>> -> memref<16x512xf32, #tpu.memory_space<hbm>>
    %dma_start3A_164 = arith.constant 0 : i32
    %dma_start3A_165 = tpu.memref_slice %arg9[%mul3A_2, %dma_start3A_164] : memref<512x512xf32, #tpu.memory_space<hbm>> -> memref<16x512xf32, #tpu.memory_space<hbm>>
    tpu.enqueue_dma source(%arg18 : memref<16x512xf32, #tpu.memory_space<vmem>>) target(%dma_start3A_165 : memref<16x512xf32, #tpu.memory_space<hbm>>) target_semaphore(%arg24 : memref<!tpu.dma_semaphore, #tpu.memory_space<semaphore_mem>>)
    %dma_start3A_166 = arith.constant 0 : i32
    %dma_start3A_167 = tpu.memref_slice %arg10[%mul3A_4, %dma_start3A_166] : memref<1024x1xi32, #tpu.memory_space<hbm>> -> memref<32x1xi32, #tpu.memory_space<hbm>>
    %dma_start3A_168 = arith.constant 0 : i32
    %dma_start3A_169 = tpu.memref_slice %arg10[%mul3A_4, %dma_start3A_168] : memref<1024x1xi32, #tpu.memory_space<hbm>> -> memref<32x1xi32, #tpu.memory_space<hbm>>
    tpu.enqueue_dma source(%arg20 : memref<32x1xi32, #tpu.memory_space<vmem>>) target(%dma_start3A_169 : memref<32x1xi32, #tpu.memory_space<hbm>>) target_semaphore(%arg24 : memref<!tpu.dma_semaphore, #tpu.memory_space<semaphore_mem>>)
    %dma_wait3A_170 = arith.constant 0 : i32
    %dma_wait3A_171 = arith.constant 0 : i32
    %dma_wait3A_172 = tpu.memref_slice %arg8[%dma_wait3A_170, %dma_wait3A_171] : memref<4096x256xf32, #tpu.memory_space<hbm>> -> memref<4096x256xf32, #tpu.memory_space<hbm>>
    tpu.wait_indirect_dma semaphore(%arg22 : memref<!tpu.dma_semaphore, #tpu.memory_space<semaphore_mem>>) src(%dma_wait3A_172 : memref<4096x256xf32, #tpu.memory_space<hbm>>) dst(%arg21 : memref<32x256xf32, #tpu.memory_space<vmem>>)
    %dma_start3A_173 = arith.constant 0 : i32
    %dma_start3A_174 = tpu.memref_slice %arg11[%mul3A_4, %dma_start3A_173] : memref<1024x256xf32, #tpu.memory_space<hbm>> -> memref<32x256xf32, #tpu.memory_space<hbm>>
    %dma_start3A_175 = arith.constant 0 : i32
    %dma_start3A_176 = tpu.memref_slice %arg11[%mul3A_4, %dma_start3A_175] : memref<1024x256xf32, #tpu.memory_space<hbm>> -> memref<32x256xf32, #tpu.memory_space<hbm>>
    tpu.enqueue_dma source(%arg21 : memref<32x256xf32, #tpu.memory_space<vmem>>) target(%dma_start3A_176 : memref<32x256xf32, #tpu.memory_space<hbm>>) target_semaphore(%arg24 : memref<!tpu.dma_semaphore, #tpu.memory_space<semaphore_mem>>)
    %dma_wait3A_177 = arith.constant 0 : i32
    %dma_wait3A_178 = tpu.memref_slice %arg9[%mul3A_2, %dma_wait3A_177] : memref<512x512xf32, #tpu.memory_space<hbm>> -> memref<16x512xf32, #tpu.memory_space<hbm>>
    %dma_wait3A_179 = arith.constant 0 : i32
    %dma_wait3A_180 = tpu.memref_slice %arg9[%mul3A_2, %dma_wait3A_179] : memref<512x512xf32, #tpu.memory_space<hbm>> -> memref<16x512xf32, #tpu.memory_space<hbm>>
    tpu.wait_dma2 semaphore(%arg24 : memref<!tpu.dma_semaphore, #tpu.memory_space<semaphore_mem>>) src(%arg18 : memref<16x512xf32, #tpu.memory_space<vmem>>) dst(%dma_wait3A_180 : memref<16x512xf32, #tpu.memory_space<hbm>>)
    %dma_wait3A_181 = arith.constant 0 : i32
    %dma_wait3A_182 = tpu.memref_slice %arg10[%mul3A_4, %dma_wait3A_181] : memref<1024x1xi32, #tpu.memory_space<hbm>> -> memref<32x1xi32, #tpu.memory_space<hbm>>
    %dma_wait3A_183 = arith.constant 0 : i32
    %dma_wait3A_184 = tpu.memref_slice %arg10[%mul3A_4, %dma_wait3A_183] : memref<1024x1xi32, #tpu.memory_space<hbm>> -> memref<32x1xi32, #tpu.memory_space<hbm>>
    tpu.wait_dma2 semaphore(%arg24 : memref<!tpu.dma_semaphore, #tpu.memory_space<semaphore_mem>>) src(%arg20 : memref<32x1xi32, #tpu.memory_space<vmem>>) dst(%dma_wait3A_184 : memref<32x1xi32, #tpu.memory_space<hbm>>)
    %dma_wait3A_185 = arith.constant 0 : i32
    %dma_wait3A_186 = tpu.memref_slice %arg11[%mul3A_4, %dma_wait3A_185] : memref<1024x256xf32, #tpu.memory_space<hbm>> -> memref<32x256xf32, #tpu.memory_space<hbm>>
    %dma_wait3A_187 = arith.constant 0 : i32
    %dma_wait3A_188 = tpu.memref_slice %arg11[%mul3A_4, %dma_wait3A_187] : memref<1024x256xf32, #tpu.memory_space<hbm>> -> memref<32x256xf32, #tpu.memory_space<hbm>>
    tpu.wait_dma2 semaphore(%arg24 : memref<!tpu.dma_semaphore, #tpu.memory_space<semaphore_mem>>) src(%arg21 : memref<32x256xf32, #tpu.memory_space<vmem>>) dst(%dma_wait3A_188 : memref<32x256xf32, #tpu.memory_space<hbm>>)
    return
  }
}

module attributes {stable_mosaic.version = 14 : i64} {
  func.func @_tc_body(%arg0: i32, %arg1: memref<512x512xf32, #tpu.memory_space<vmem>>, %arg2: memref<512x256xf32, #tpu.memory_space<vmem>>, %arg3: memref<1024x1xi32, #tpu.memory_space<vmem>>, %arg4: memref<1024x256xf32, #tpu.memory_space<vmem>>, %arg5: memref<1024x256xf32, #tpu.memory_space<vmem>>, %arg6: memref<768x256xf32, #tpu.memory_space<vmem>>, %arg7: memref<1x256xf32, #tpu.memory_space<vmem>>, %arg8: memref<256x1xf32, #tpu.memory_space<vmem>>, %arg9: memref<1x1xf32, #tpu.memory_space<vmem>>, %arg10: memref<256x128xf32, #tpu.memory_space<vmem>>, %arg11: memref<1x128xf32, #tpu.memory_space<vmem>>, %arg12: memref<128x1xf32, #tpu.memory_space<vmem>>, %arg13: memref<1x1xf32, #tpu.memory_space<vmem>>, %arg14: memref<1024x1xf32, #tpu.memory_space<vmem>>) attributes {dimension_semantics = [#tpu.dimension_semantics<arbitrary>], iteration_bounds = array<i64: 1>, scalar_prefetch = 0 : i64, scratch_operands = 0 : i64, tpu.core_type = #tpu.core_type<tc>, window_params = [{pipeline_mode = #tpu.pipeline_mode<synchronous>, transform_indices = @transform_0, window_bounds = array<i64: 512, 512>}, {transform_indices = @transform_1, window_bounds = array<i64: 512, 256>}, {pipeline_mode = #tpu.pipeline_mode<synchronous>, transform_indices = @transform_2, window_bounds = array<i64: 1024, 1>}, {pipeline_mode = #tpu.pipeline_mode<synchronous>, transform_indices = @transform_3, window_bounds = array<i64: 1024, 256>}, {pipeline_mode = #tpu.pipeline_mode<synchronous>, transform_indices = @transform_4, window_bounds = array<i64: 1024, 256>}, {pipeline_mode = #tpu.pipeline_mode<synchronous>, transform_indices = @transform_5, window_bounds = array<i64: 768, 256>}, {pipeline_mode = #tpu.pipeline_mode<synchronous>, transform_indices = @transform_6, window_bounds = array<i64: 1, 256>}, {pipeline_mode = #tpu.pipeline_mode<synchronous>, transform_indices = @transform_7, window_bounds = array<i64: 256, 1>}, {pipeline_mode = #tpu.pipeline_mode<synchronous>, transform_indices = @transform_8, window_bounds = array<i64: 1, 1>}, {pipeline_mode = #tpu.pipeline_mode<synchronous>, transform_indices = @transform_9, window_bounds = array<i64: 256, 128>}, {pipeline_mode = #tpu.pipeline_mode<synchronous>, transform_indices = @transform_10, window_bounds = array<i64: 1, 128>}, {pipeline_mode = #tpu.pipeline_mode<synchronous>, transform_indices = @transform_11, window_bounds = array<i64: 128, 1>}, {pipeline_mode = #tpu.pipeline_mode<synchronous>, transform_indices = @transform_12, window_bounds = array<i64: 1, 1>}, {pipeline_mode = #tpu.pipeline_mode<synchronous>, transform_indices = @transform_13, window_bounds = array<i64: 1024, 1>}]} {
    %get3A = arith.constant 0 : index
    %get3A_0 = arith.constant 0 : index
    %get3A_1 = vector.load %arg1[%get3A, %get3A_0] : memref<512x512xf32, #tpu.memory_space<vmem>>, vector<512x512xf32>
    %get3A_2 = arith.constant 0 : index
    %get3A_3 = arith.constant 0 : index
    %get3A_4 = vector.load %arg2[%get3A_2, %get3A_3] : memref<512x256xf32, #tpu.memory_space<vmem>>, vector<512x256xf32>
    %dot_general3A = arith.constant dense<0.000000e+00> : vector<512x256xf32>
    %dot_general3A_5 = tpu.matmul %get3A_1, %get3A_4, %dot_general3A {dimension_numbers = #tpu.dot_dimension_numbers<[1], [0], [0], [1], [0, 0, 1, 1], [], []>, transpose_lhs_hint = false} : vector<512x512xf32>, vector<512x256xf32>, vector<512x256xf32> -> vector<512x256xf32>
    %iota3A = tpu.iota {dimensions = array<i32: 1>} : vector<1024x512xi32>
    %get3A_6 = arith.constant 0 : index
    %get3A_7 = arith.constant 0 : index
    %get3A_8 = vector.load %arg3[%get3A_6, %get3A_7] : memref<1024x1xi32, #tpu.memory_space<vmem>>, vector<1024x1xi32>
    %eq3A = vector.broadcast %get3A_8 : vector<1024x1xi32> to vector<1024x512xi32>
    %eq3A_9 = arith.cmpi eq, %eq3A, %iota3A : vector<1024x512xi32>
    %convert_element_type3A = arith.extui %eq3A_9 : vector<1024x512xi1> to vector<1024x512xi32>
    %convert_element_type3A_10 = arith.sitofp %convert_element_type3A : vector<1024x512xi32> to vector<1024x512xf32>
    %dot_general3A_11 = arith.constant dense<0.000000e+00> : vector<1024x256xf32>
    %dot_general3A_12 = tpu.matmul %convert_element_type3A_10, %dot_general3A_5, %dot_general3A_11 {dimension_numbers = #tpu.dot_dimension_numbers<[1], [0], [0], [1], [0, 0, 1, 1], [], []>, transpose_lhs_hint = false} : vector<1024x512xf32>, vector<512x256xf32>, vector<1024x256xf32> -> vector<1024x256xf32>
    %get3A_13 = arith.constant 0 : index
    %get3A_14 = arith.constant 0 : index
    %get3A_15 = vector.load %arg6[%get3A_13, %get3A_14] : memref<768x256xf32, #tpu.memory_space<vmem>>, vector<768x256xf32>
    %get3A_16 = arith.constant 0 : index
    %get3A_17 = arith.constant 0 : index
    %get3A_18 = vector.load %arg5[%get3A_16, %get3A_17] : memref<1024x256xf32, #tpu.memory_space<vmem>>, vector<1024x256xf32>
    %slice3A = vector.extract_strided_slice %get3A_15 {offsets = [0, 0], sizes = [256, 256], strides = [1, 1]} : vector<768x256xf32> to vector<256x256xf32>
    %dot_general3A_19 = arith.constant dense<0.000000e+00> : vector<1024x256xf32>
    %dot_general3A_20 = tpu.matmul %get3A_18, %slice3A, %dot_general3A_19 {dimension_numbers = #tpu.dot_dimension_numbers<[1], [0], [0], [1], [0, 0, 1, 1], [], []>, transpose_lhs_hint = false} : vector<1024x256xf32>, vector<256x256xf32>, vector<1024x256xf32> -> vector<1024x256xf32>
    %get3A_21 = arith.constant 0 : index
    %get3A_22 = arith.constant 0 : index
    %get3A_23 = vector.load %arg4[%get3A_21, %get3A_22] : memref<1024x256xf32, #tpu.memory_space<vmem>>, vector<1024x256xf32>
    %slice3A_24 = vector.extract_strided_slice %get3A_15 {offsets = [256, 0], sizes = [256, 256], strides = [1, 1]} : vector<768x256xf32> to vector<256x256xf32>
    %dot_general3A_25 = arith.constant dense<0.000000e+00> : vector<1024x256xf32>
    %dot_general3A_26 = tpu.matmul %get3A_23, %slice3A_24, %dot_general3A_25 {dimension_numbers = #tpu.dot_dimension_numbers<[1], [0], [0], [1], [0, 0, 1, 1], [], []>, transpose_lhs_hint = false} : vector<1024x256xf32>, vector<256x256xf32>, vector<1024x256xf32> -> vector<1024x256xf32>
    %add3A = arith.addf %dot_general3A_20, %dot_general3A_26 : vector<1024x256xf32>
    %slice3A_27 = vector.extract_strided_slice %get3A_15 {offsets = [512, 0], sizes = [256, 256], strides = [1, 1]} : vector<768x256xf32> to vector<256x256xf32>
    %dot_general3A_28 = arith.constant dense<0.000000e+00> : vector<1024x256xf32>
    %dot_general3A_29 = tpu.matmul %dot_general3A_12, %slice3A_27, %dot_general3A_28 {dimension_numbers = #tpu.dot_dimension_numbers<[1], [0], [0], [1], [0, 0, 1, 1], [], []>, transpose_lhs_hint = false} : vector<1024x256xf32>, vector<256x256xf32>, vector<1024x256xf32> -> vector<1024x256xf32>
    %add3A_30 = arith.addf %add3A, %dot_general3A_29 : vector<1024x256xf32>
    %get3A_31 = arith.constant 0 : index
    %get3A_32 = arith.constant 0 : index
    %get3A_33 = vector.load %arg7[%get3A_31, %get3A_32] : memref<1x256xf32, #tpu.memory_space<vmem>>, vector<1x256xf32>
    %add3A_34 = vector.broadcast %get3A_33 : vector<1x256xf32> to vector<1024x256xf32>
    %add3A_35 = arith.addf %add3A_30, %add3A_34 : vector<1024x256xf32>
    %max3A = arith.constant 0.000000e+00 : f32
    %max3A_36 = vector.broadcast %max3A : f32 to vector<1024x256xf32>
    %max3A_37 = arith.maximumf %add3A_35, %max3A_36 : vector<1024x256xf32>
    %get3A_38 = arith.constant 0 : index
    %get3A_39 = arith.constant 0 : index
    %get3A_40 = vector.load %arg8[%get3A_38, %get3A_39] : memref<256x1xf32, #tpu.memory_space<vmem>>, vector<256x1xf32>
    %dot_general3A_41 = arith.constant dense<0.000000e+00> : vector<1024x1xf32>
    %dot_general3A_42 = tpu.matmul %max3A_37, %get3A_40, %dot_general3A_41 {dimension_numbers = #tpu.dot_dimension_numbers<[1], [0], [0], [1], [0, 0, 1, 1], [], []>, transpose_lhs_hint = false} : vector<1024x256xf32>, vector<256x1xf32>, vector<1024x1xf32> -> vector<1024x1xf32>
    %get3A_43 = arith.constant 0 : index
    %get3A_44 = arith.constant 0 : index
    %get3A_45 = vector.load %arg9[%get3A_43, %get3A_44] : memref<1x1xf32, #tpu.memory_space<vmem>>, vector<1x1xf32>
    %add3A_46 = vector.broadcast %get3A_45 : vector<1x1xf32> to vector<1024x1xf32>
    %add3A_47 = arith.addf %dot_general3A_42, %add3A_46 : vector<1024x1xf32>
    %get3A_48 = arith.constant 0 : index
    %get3A_49 = arith.constant 0 : index
    %get3A_50 = vector.load %arg5[%get3A_48, %get3A_49] : memref<1024x256xf32, #tpu.memory_space<vmem>>, vector<1024x256xf32>
    %get3A_51 = arith.constant 0 : index
    %get3A_52 = arith.constant 0 : index
    %get3A_53 = vector.load %arg10[%get3A_51, %get3A_52] : memref<256x128xf32, #tpu.memory_space<vmem>>, vector<256x128xf32>
    %dot_general3A_54 = arith.constant dense<0.000000e+00> : vector<1024x128xf32>
    %dot_general3A_55 = tpu.matmul %get3A_50, %get3A_53, %dot_general3A_54 {dimension_numbers = #tpu.dot_dimension_numbers<[1], [0], [0], [1], [0, 0, 1, 1], [], []>, transpose_lhs_hint = false} : vector<1024x256xf32>, vector<256x128xf32>, vector<1024x128xf32> -> vector<1024x128xf32>
    %get3A_56 = arith.constant 0 : index
    %get3A_57 = arith.constant 0 : index
    %get3A_58 = vector.load %arg11[%get3A_56, %get3A_57] : memref<1x128xf32, #tpu.memory_space<vmem>>, vector<1x128xf32>
    %add3A_59 = vector.broadcast %get3A_58 : vector<1x128xf32> to vector<1024x128xf32>
    %add3A_60 = arith.addf %dot_general3A_55, %add3A_59 : vector<1024x128xf32>
    %max3A_61 = arith.constant 0.000000e+00 : f32
    %max3A_62 = vector.broadcast %max3A_61 : f32 to vector<1024x128xf32>
    %max3A_63 = arith.maximumf %add3A_60, %max3A_62 : vector<1024x128xf32>
    %get3A_64 = arith.constant 0 : index
    %get3A_65 = arith.constant 0 : index
    %get3A_66 = vector.load %arg12[%get3A_64, %get3A_65] : memref<128x1xf32, #tpu.memory_space<vmem>>, vector<128x1xf32>
    %dot_general3A_67 = arith.constant dense<0.000000e+00> : vector<1024x1xf32>
    %dot_general3A_68 = tpu.matmul %max3A_63, %get3A_66, %dot_general3A_67 {dimension_numbers = #tpu.dot_dimension_numbers<[1], [0], [0], [1], [0, 0, 1, 1], [], []>, transpose_lhs_hint = false} : vector<1024x128xf32>, vector<128x1xf32>, vector<1024x1xf32> -> vector<1024x1xf32>
    %get3A_69 = arith.constant 0 : index
    %get3A_70 = arith.constant 0 : index
    %get3A_71 = vector.load %arg13[%get3A_69, %get3A_70] : memref<1x1xf32, #tpu.memory_space<vmem>>, vector<1x1xf32>
    %add3A_72 = vector.broadcast %get3A_71 : vector<1x1xf32> to vector<1024x1xf32>
    %add3A_73 = arith.addf %dot_general3A_68, %add3A_72 : vector<1024x1xf32>
    %get3A_74 = arith.constant 0 : index
    %get3A_75 = arith.constant 0 : index
    %get3A_76 = vector.load %arg3[%get3A_74, %get3A_75] : memref<1024x1xi32, #tpu.memory_space<vmem>>, vector<1024x1xi32>
    %lt3A = arith.constant 512 : i32
    %lt3A_77 = vector.broadcast %lt3A : i32 to vector<1024x1xi32>
    %lt3A_78 = arith.cmpi slt, %get3A_76, %lt3A_77 : vector<1024x1xi32>
    %select_n3A = arith.select %lt3A_78, %add3A_47, %add3A_73 : vector<1024x1xi1>, vector<1024x1xf32>
    %swap3A = arith.constant 0 : index
    %swap3A_79 = arith.constant 0 : index
    %swap3A_80 = vector.load %arg14[%swap3A, %swap3A_79] : memref<1024x1xf32, #tpu.memory_space<vmem>>, vector<1024x1xf32>
    tpu.vector_store %arg14[%swap3A, %swap3A_79], %select_n3A {strides = array<i32>} : memref<1024x1xf32, #tpu.memory_space<vmem>>, vector<1024x1xf32>,
    return
  }
  func.func @transform_0(%arg0: i32) -> (i32, i32) {
    %c0_i32 = arith.constant 0 : i32
    %c0_i32_0 = arith.constant 0 : i32
    %c0_i32_1 = arith.constant 0 : i32
    return %c0_i32, %c0_i32_0 : i32, i32
  }
  func.func @transform_1(%arg0: i32) -> (i32, i32) {
    %c0_i32 = arith.constant 0 : i32
    %c0_i32_0 = arith.constant 0 : i32
    %c0_i32_1 = arith.constant 0 : i32
    return %c0_i32, %c0_i32_0 : i32, i32
  }
  func.func @transform_2(%arg0: i32) -> (i32, i32) {
    %c0_i32 = arith.constant 0 : i32
    %c0_i32_0 = arith.constant 0 : i32
    %c0_i32_1 = arith.constant 0 : i32
    return %c0_i32, %c0_i32_0 : i32, i32
  }
  func.func @transform_3(%arg0: i32) -> (i32, i32) {
    %c0_i32 = arith.constant 0 : i32
    %c0_i32_0 = arith.constant 0 : i32
    %c0_i32_1 = arith.constant 0 : i32
    return %c0_i32, %c0_i32_0 : i32, i32
  }
  func.func @transform_4(%arg0: i32) -> (i32, i32) {
    %c0_i32 = arith.constant 0 : i32
    %c0_i32_0 = arith.constant 0 : i32
    %c0_i32_1 = arith.constant 0 : i32
    return %c0_i32, %c0_i32_0 : i32, i32
  }
  func.func @transform_5(%arg0: i32) -> (i32, i32) {
    %c0_i32 = arith.constant 0 : i32
    %c0_i32_0 = arith.constant 0 : i32
    %c0_i32_1 = arith.constant 0 : i32
    return %c0_i32, %c0_i32_0 : i32, i32
  }
  func.func @transform_6(%arg0: i32) -> (i32, i32) {
    %c0_i32 = arith.constant 0 : i32
    %c0_i32_0 = arith.constant 0 : i32
    %c0_i32_1 = arith.constant 0 : i32
    return %c0_i32, %c0_i32_0 : i32, i32
  }
  func.func @transform_7(%arg0: i32) -> (i32, i32) {
    %c0_i32 = arith.constant 0 : i32
    %c0_i32_0 = arith.constant 0 : i32
    %c0_i32_1 = arith.constant 0 : i32
    return %c0_i32, %c0_i32_0 : i32, i32
  }
  func.func @transform_8(%arg0: i32) -> (i32, i32) {
    %c0_i32 = arith.constant 0 : i32
    %c0_i32_0 = arith.constant 0 : i32
    %c0_i32_1 = arith.constant 0 : i32
    return %c0_i32, %c0_i32_0 : i32, i32
  }
  func.func @transform_9(%arg0: i32) -> (i32, i32) {
    %c0_i32 = arith.constant 0 : i32
    %c0_i32_0 = arith.constant 0 : i32
    %c0_i32_1 = arith.constant 0 : i32
    return %c0_i32, %c0_i32_0 : i32, i32
  }
  func.func @transform_10(%arg0: i32) -> (i32, i32) {
    %c0_i32 = arith.constant 0 : i32
    %c0_i32_0 = arith.constant 0 : i32
    %c0_i32_1 = arith.constant 0 : i32
    return %c0_i32, %c0_i32_0 : i32, i32
  }
  func.func @transform_11(%arg0: i32) -> (i32, i32) {
    %c0_i32 = arith.constant 0 : i32
    %c0_i32_0 = arith.constant 0 : i32
    %c0_i32_1 = arith.constant 0 : i32
    return %c0_i32, %c0_i32_0 : i32, i32
  }
  func.func @transform_12(%arg0: i32) -> (i32, i32) {
    %c0_i32 = arith.constant 0 : i32
    %c0_i32_0 = arith.constant 0 : i32
    %c0_i32_1 = arith.constant 0 : i32
    return %c0_i32, %c0_i32_0 : i32, i32
  }
  func.func @transform_13(%arg0: i32) -> (i32, i32) {
    %c0_i32 = arith.constant 0 : i32
    %c0_i32_0 = arith.constant 0 : i32
    %c0_i32_1 = arith.constant 0 : i32
    return %c0_i32, %c0_i32_0 : i32, i32
  }
}

</mosaic_0001>

<sc_bundles>
// kernel: kernel.4.cloned.1.call-start
scs
__scs_entry_jumppad:
0x0: {  	(pc) =	sbr.rel $0x88, $3  }
0x1: {  	(tag) =	ssettag $0x0;
	lr =	simm.s32 $0x1  }
0x2: {  	[smem:$0x3F91] =	sst lr;
	_ =	strace $0xD0000000  }
0x3: {  	_ = 	snop  }
0x4: {  	_ = 	snop  }
0x5: {  	_ = 	snop  }
0x6: {  	_ = 	snop  }
0x7: {  	_ = 	snop  }
__scs_overlays_trampoline_lowered:
0x8: {  	[smem:$0x3FA0] =	sst s0  }
0x9: {  	[smem:$0x3FA1] =	sst s1  }
0xa: {  	[smem:$0x3FA2] =	sst s2  }
0xb: {  	[smem:$0x3FA3] =	sst s3  }
0xc: {  	[smem:$0x3FA4] =	sst s4  }
0xd: {  	[smem:$0x3FA5] =	sst s5  }
0xe: {  	[smem:$0x3FA6] =	sst s6  }
0xf: {  	[smem:$0x3FA7] =	sst s7  }
0x10: {  	[smem:$0x3FA8] =	sst s8  }
0x11: {  	[smem:$0x3FA9] =	sst s9;
	s0 =	simm.s32 @!p0 $0x0  }
0x12: {  	s1 =	sld [smem:$0x3F8F];
	s0 =	simm.s32 @p0 $0x1  }
0x13: {  	[smem:$0x3FAA] =	sst s0;
	s0 =	simm.s32 @!p1 $0x0  }
0x14: {  	s2 =	sld [smem:$0x3F8E];
	s0 =	simm.s32 @p1 $0x1  }
0x15: {  	[smem:$0x3FAB] =	sst s0;
	s0 =	simm.s32 @!p2 $0x0  }
0x16: {  	s3 =	sld [smem:$0x3FDB];
	s0 =	simm.s32 @p2 $0x1  }
0x17: {  	s4 =	simm.s32 $0x1BF5;
	[smem:$0x3FAD] =	sst s0  }
0x18: {  	s0 =	sld [smem:$0x3F90];
	_ =	swait.ge [sflag:s4], $0x0  }
0x19: {  	s7 =	sld [smem:$0x3F91]  }
0x1a: {  	s8 =	sadd.s32 $0xFFFFE003, lr  }
0x1b: {  	s9 =	sadd.s32 $0xFFFFFEF7, lr;
	s5 =	simm.s32 $0xFFFFFFFF;
	p2 =	slt.u32 s8, $0xFFFFF086  }
0x1c: {  	p1 =	slt.u32 s9, $0xF7A;
	s5 =	simm.s32 @!p2 $0x0  }
0x1d: {  	s5 =	simm.s32 @p1 $0x1;
	p0 =	seq.s32 s7, s2  }
0x1e: {  	s7 =	smul.u32 @!p0 $0xF7A, s2;
	p2 =	seq.s32 @!p0 s5, $0x0  }
0x1f: {  	s9 =	smul.u32 $0xF7A, s1;
	s8 =	simm.s32 @!p0 $0x1BF5;
	p2 =	por !p2, p0  }
0x20: {  	[sflag:s8] =	ssyncset.s32 @!p0 $0xFFFFF086;
	s6 =	sadd.s32 @!p0 s3, s7;
	s7 =	simm.s32 @!p0 $0x108  }
0x21: {  	s3 =	sadd.s32 s3, s9;
	s6 =	sadd.s32 @!p0 $0x88, s6;
	s7 =	simm.s32 @p2 $0x1082  }
0x22: {  	[simem:s7], [sflag:s8] =	dma.local @!p0 [hbm:s6], $0xF7A  }
0x23: {  	s9 =	sor.u32 $0xD0000000, s2;
	s6 =	simm.s32 $0x108;
	_ =	swait.ge @!p0 [sflag:s8], $0x0  }
0x24: {  	s3 =	sadd.s32 $0x88, s3;
	s6 =	simm.s32 @!p1 $0x1082;
	[sflag:s4] =	ssyncset.s32 $0xFFFFF086  }
0x25: {  	[simem:s6], [sflag:s4] =	dma.local [hbm:s3], $0xF7A  }
0x26: {  	[smem:$0x3F91] =	sst s1;
	(tag) =	ssettag s2;
	_ =	strace s9  }
0x27: {  	s1 =	sld [smem:$0x3FA1]  }
0x28: {  	s2 =	sld [smem:$0x3FA2]  }
0x29: {  	s4 =	sld [smem:$0x3FA4]  }
0x2a: {  	p0 =	seq.s32 s5, $0x0;
	s5 =	sld [smem:$0x3FA5]  }
0x2b: {  	s6 =	sld [smem:$0x3FA6]  }
0x2c: {  	s7 =	sld [smem:$0x3FA7]  }
0x2d: {  	s3 =	simm.s32 $0x108;
	s8 =	sld [smem:$0x3FA8]  }
0x2e: {  	s3 =	simm.s32 @!p0 $0x1082;
	s9 =	sld [smem:$0x3FA9]  }
0x2f: {  	lr =	sadd.s32 s0, s3;
	s0 =	sld [smem:$0x3FA0]  }
0x30: {  	s3 =	sld [smem:$0x3FA3]  }
0x31: {  	[smem:$0x3FAC] =	sst s10  }
0x32: {  	s10 =	sld [smem:$0x3FAA];
	_ =	sdelay $0x3  }
0x33: {  	p0 =	seq.s32 s10, $0x1;
	s10 =	sld [smem:$0x3FAC];
	_ =	sdelay $0x3  }
0x34: {  	[smem:$0x3FAC] =	sst s10  }
0x35: {  	s10 =	sld [smem:$0x3FAB];
	_ =	sdelay $0x3  }
0x36: {  	p1 =	seq.s32 s10, $0x1;
	s10 =	sld [smem:$0x3FAC];
	_ =	sdelay $0x3  }
0x37: {  	[smem:$0x3FAC] =	sst s10  }
0x38: {  	s10 =	sld [smem:$0x3FAD]  }
0x39: {  	_ = 	snop;
	(pc) =	sbr.ind lr, $3  }
0x3a: {  	_ = 	snop  }
0x3b: {  	_ = 	snop  }
0x3c: {  	p2 =	seq.s32 s10, $0x1;
	s10 =	sld [smem:$0x3FAC]  }
0x3d: {  	_ =	shalt  }
0x3e: {  	_ =	shalt  }
0x3f: {  	_ =	shalt  }
0x40: {  	_ =	shalt  }
0x41: {  	_ =	shalt  }
0x42: {  	_ =	shalt  }
0x43: {  	_ =	shalt  }
0x44: {  	_ =	shalt  }
0x45: {  	_ =	shalt  }
0x46: {  	_ =	shalt  }
0x47: {  	_ =	shalt  }
0x48: {  	_ =	shalt  }
0x49: {  	_ =	shalt  }
0x4a: {  	_ =	shalt  }
0x4b: {  	_ =	shalt  }
0x4c: {  	_ =	shalt  }
0x4d: {  	_ =	shalt  }
0x4e: {  	_ =	shalt  }
0x4f: {  	_ =	shalt  }
0x50: {  	_ =	shalt  }
0x51: {  	_ =	shalt  }
0x52: {  	_ =	shalt  }
0x53: {  	_ =	shalt  }
0x54: {  	_ =	shalt  }
0x55: {  	_ =	shalt  }
0x56: {  	_ =	shalt  }
0x57: {  	_ =	shalt  }
0x58: {  	_ =	shalt  }
0x59: {  	_ =	shalt  }
0x5a: {  	_ =	shalt  }
0x5b: {  	_ =	shalt  }
0x5c: {  	_ =	shalt  }
0x5d: {  	_ =	shalt  }
0x5e: {  	_ =	shalt  }
0x5f: {  	_ =	shalt  }
0x60: {  	_ =	shalt  }
0x61: {  	_ =	shalt  }
0x62: {  	_ =	shalt  }
0x63: {  	_ =	shalt  }
0x64: {  	_ =	shalt  }
0x65: {  	_ =	shalt  }
0x66: {  	_ =	shalt  }
0x67: {  	_ =	shalt  }
0x68: {  	_ =	shalt  }
0x69: {  	_ =	shalt  }
0x6a: {  	_ =	shalt  }
0x6b: {  	_ =	shalt  }
0x6c: {  	_ =	shalt  }
0x6d: {  	_ =	shalt  }
0x6e: {  	_ =	shalt  }
0x6f: {  	_ =	shalt  }
0x70: {  	_ =	shalt  }
0x71: {  	_ =	shalt  }
0x72: {  	_ =	shalt  }
0x73: {  	_ =	shalt  }
0x74: {  	_ =	shalt  }
0x75: {  	_ =	shalt  }
0x76: {  	_ =	shalt  }
0x77: {  	_ =	shalt  }
0x78: {  	_ =	shalt  }
0x79: {  	_ =	shalt  }
0x7a: {  	_ =	shalt  }
0x7b: {  	_ =	shalt  }
0x7c: {  	_ =	shalt  }
0x7d: {  	_ =	shalt  }
0x7e: {  	_ =	shalt  }
0x7f: {  	_ =	shalt  }
0x80: {  	_ =	shalt  }
0x81: {  	_ =	shalt  }
0x82: {  	_ =	shalt  }
0x83: {  	_ =	shalt  }
0x84: {  	_ =	shalt  }
0x85: {  	_ =	shalt  }
0x86: {  	_ =	shalt  }
0x87: {  	_ =	shalt  }
.Lfunc_end0:
.L_simem_size_0:
called_computation_lowered:
.L_overlay_start_0:
0x88: {  	s2 =	sld [smem:$0x3FD9]  }
0x89: {  	s3 =	sld [smem:$0x3FFE];
	_ =	sdelay $0x1  }
0x8a: {  	s1 =	srdreg.scid  }
0x8b: {  	s0 =	sand.u32 $0x1, s1  }
0x8c: {  	s17 =	sshll.u32 s0, $0xA;
	s2 =	sadd.s32 s3, s2  }
0x8d: {  	s2 =	sadd.s32 s2, s17  }
0x8e: {  	[smem:$0x3FB8] =	sst s2  }
0x8f: {  	_ = 	snop  }
0x90: {  	s2 =	sld [smem:$0x3FC8]  }
0x91: {  	s18 =	sld [smem:$0x3FC5]  }
0x92: {  	s4 =	sld [smem:$0x3FC4]  }
0x93: {  	s5 =	sld [smem:$0x3FC3]  }
0x94: {  	s6 =	sld [smem:$0x3FC2];
	(tm) =	ssettm $0x1  }
0x95: {  	s7 =	sld [smem:$0x3FFB];
	_ =	sdelay $0x3  }
0x96: {  	_ =	strace s7  }
0x97: {  	s7 =	sld [smem:$0x3FFC];
	_ =	sdelay $0x3  }
0x98: {  	_ =	strace s7  }
0x99: {  	s7 =	sld [smem:$0x3FFD];
	_ =	sdelay $0x3  }
0x9a: {  	_ =	strace s7  }
0x9b: {  	_ =	strace $0x8FFFFFFF  }
0x9c: {  	s19 =	sld [smem:$0x3FDB];
	_ =	sdelay $0x1  }
0x9d: {  	s8 =	simm.s32 $_scs_section_size  }
0x9e: {  	s9 =	simm.s32 $_size__tile_overlayer_lowered;
	s10 =	simm.s32 $_tile_overlayer_lowered  }
0x9f: {  	s22 =	simm.s32 $0x1BFF;
	s21 =	sshll.u32 s10, $0x1;
	s7 =	sadd.s32 s8, s19  }
0xa0: {  	s11 =	simm.s32 $0x0;
	s20 =	sshll.u32 s9, $0x1;
	s9 =	sadd.s32 s21, s7  }
0xa1: {  	[timem:s11], [sflag:s22] =	dma.local [hbm:s9], s20  }
0xa2: {  	_ =	swait.ge [sflag:s22], s20  }
0xa3: {  	s8 =	ssub.s32 $0x0, s20;
	[sflag:s22] =	ssyncset.done $0x0  }
0xa4: {  	[sflag:s22] =	ssyncadd.s32 s8;
	_ =	sdelay $0x1  }
0xa5: {  	s23 =	simm.s32 $0x1B8B  }
0xa6: {  	_ =	swait.ge [sflag:s23], $0x1  }
0xa7: {  	[sflag:s23] =	ssyncset.done $0x0  }
0xa8: {  	s25 =	simm.s32 $0x1B8E;
	s24 =	sld [smem:$0x3FFE];
	[sflag:s23] =	ssyncadd.s32 $0xFFFFFFFF  }
0xa9: {  	s26 =	simm.s32 $execute0_lowered;
	[smem:$0x3FD2] =	sst s25  }
0xaa: {  	s9 =	sshll.u32 s26, $0x1;
	_ =	strace $0x80000046;
	[dreg:$0x1] =	wrdreg $0xFFFFFFFF  }
0xab: {  	s28 =	simm.s32 $_size_execute0_lowered;
	s7 =	sadd.s32 s7, s9;
	[dreg:$0x0] =	wrdreg $0x0  }
0xac: {  	s9 =	sshll.u32 s28, $0x1;
	[dreg:$0x2] =	wrdreg s7  }
0xad: {  	[dreg:$0x3] =	wrdreg s9  }
0xae: {  	[dreg:$0x4] =	wrdreg $0xC0  }
0xaf: {  	_ =	task [dreg:s11], $0x5FFFF  }
0xb0: {  	[dreg:$0x1] =	wrdreg $0xFFFFFFFF  }
0xb1: {  	[dreg:$0x0] =	wrdreg $0x60  }
0xb2: {  	[dreg:$0x2] =	wrdreg s2  }
0xb3: {  	[dreg:$0x3] =	wrdreg s24  }
0xb4: {  	[dreg:$0x4] =	wrdreg s18  }
0xb5: {  	[dreg:$0x5] =	wrdreg s5  }
0xb6: {  	[dreg:$0x6] =	wrdreg s6  }
0xb7: {  	[dreg:$0x7] =	wrdreg s4  }
0xb8: {  	[dreg:$0x8] =	wrdreg $0x9  }
0xb9: {  	_ =	task.clear_ibuf [dreg:s11], $0x9FFFF;
	_ =	strace $0x90000046  }
0xba: {  	s29 =	simm.s32 $0x9;
	_ =	strace $0x80000048  }
0xbb: {  	_ =	swait.ge [sflag:s29], $0x1  }
0xbc: {  	[sflag:s29] =	ssyncadd.s32 $0xFFFFFFFF  }
0xbd: {  	_ =	strace $0x90000048  }
0xbe: {  	_ =	sfence  }
0xbf: {  	s30 =	sld [smem:$0x0];
	_ =	sdelay $0x2  }
0xc0: {  	s31 =	sshll.u32 s1, $0xD;
	s1 =	sshrl.u32 s1, $0x2  }
0xc1: {  	s3 =	sand.u32 $0x4000, s31;
	s1 =	sadd.s32 s1, s30  }
0xc2: {  	s0 =	sor.u32 s3, s0;
	s1 =	sshll.u32 s1, $0x11  }
0xc3: {  	s0 =	sor.u32 s1, s0  }
0xc4: {  	s0 =	sadd.s32 $0x8F2B, s0  }
0xc5: {  	[sflag:s0] =	ssyncadd.remote.s32 $0x1  }
0xc6: {  	_ =	sfence.sel $0xFFFF  }
0xc7: {  	[dreg:$0x0] =	wrdreg $0xFFFFFFFF;
	(pc) =	sbr.abs _section_cstart, $3  }
0xc8: {  	[dreg:$0x1] =	wrdreg $0xFFFFFFFF  }
0xc9: {  	_ =	task.clear_ibuf [dreg:s11], $0x2FFFF;
	_ =	strace $0x9FFFFFFF  }
0xca: {  	(tm) =	ssettm $0x7FFFFFFF  }
0xcb: {  	_ =	shalt  }
tec
execute0_lowered:
.L_overlay_start_1:
0x0: {  	(tag) =	ssettag $0x1  }
0x1: {  	s0 =	rddreg [dreg:$0x1]  }
0x2: {  	s1 =	rddreg [dreg:$0x2]  }
0x3: {  	s2 =	rddreg [dreg:$0x4];
	v0 =	vimm.s32 $0x1380;
	vm0 =	vcmask $0x300  }
0x4: {  	s3 =	rddreg [dreg:$0x5];
	s4 =	srdreg.scid;
	vm14 =	vcmask $0x704;
	v0 =	vsel vm0, $0x0, v0  }
0x5: {  	s6 =	stileid.u32;
	s5 =	simm.s32 $0x0;
	vm15 =	vcmask $0xB08;
	s16 =	simm.s32 $0x1300;
	v0 =	vsel vm14, $0x80, v0  }
0x6: {  	vm4 =	vcmask $0xF0C;
	s17 =	simm.s32 $0x1B00;
	s19 =	simm.s32 $0x2;
	s20 =	simm.s32 $0x5400;
	v0 =	vsel vm15, $0x100, v0  }
0x7: {  	vm5 =	vcmask $0x1310;
	vm6 =	vcmask $0x1714;
	s28 =	simm.s32 $0x1;
	s29 =	simm.s32 $0x3;
	s30 =	simm.s32 $0x0;
	v0 =	vsel vm4, $0x180, v0  }
0x8: {  	vm7 =	vcmask $0x1B18;
	vm8 =	vcmask $0x1F1C;
	s4 =	sand.u32 $0x1, s4;
	s6 =	sshll.u32 s6, $0x1;
	[smem:$0x7FF] =	sst s5;
	v1 =	vsel vm5, $0x200, v0  }
0x9: {  	vm9 =	vcmask $0x2320;
	v6 =	vlaneseq.u32;
	s6 =	sor.u32 s4, s6;
	_ =	strace $0x80000047;
	s4 =	ssub.s32 $0x2, s4;
	v2 =	vsel vm6, $0x280, v1  }
0xa: {  	vm10 =	vcmask $0x2724;
	vm11 =	vcmask $0x2B28;
	s7 =	sshll.u32 s6, $0x8;
	s8 =	sshll.u32 s6, $0x9;
	s9 =	sshll.u32 s6, $0xA;
	v3 =	vsel vm7, $0x300, v2  }
0xb: {  	vm12 =	vcmask $0x2F2C;
	vm13 =	vcmask $0x3330;
	s10 =	sshrl.u32 s4, $0x1;
	s11 =	sshll.u32 s6, $0x2;
	s25 =	sshll.u32 s6, $0x1;
	v3 =	vsel vm8, $0x380, v3  }
0xc: {  	vm1 =	vmmov $0xffff;
	v8 =	vimm.s32 $0x0;
	s7 =	sadd.s32 s7, s0;
	s8 =	sadd.s32 s8, s0;
	s2 =	sadd.s32 s2, s11;
	v4 =	vsel vm9, $0x1000, v3  }
0xd: {  	v5 =	vshrl.u32 v6, $0x3;
	v8 =	vsel vm1, $0xFFFFFFFF, v8;
	s0 =	sadd.s32 s9, s0;
	s1 =	sadd.s32 s1, s25;
	[dreg:$0x7] =	wrdreg s2;
	v4 =	vsel vm10, $0x1080, v4  }
0xe: {  	vm14 =	vcmask $0x3734;
	vm15 =	vcmask $0x3B38;
	s4 =	ssub.s32 s4, s10;
	s23 =	sadd.s32 $0x1A00, s7;
	[dreg:$0xa] =	wrdreg s1;
	v7 =	vsel vm11, $0x1100, v4  }
0xf: {  	s25 =	simm.s32 $0x2380;
	v0 =	vimm.f32 $0.0e+00;
	s24 =	sadd.s32 $0x3A00, s7;
	v1 =	vimm.s32 $0x0;
	[dreg:$0x8] =	wrdreg s23;
	v7 =	vsel vm12, $0x1180, v7  }
0x10: {  	s26 =	sadd.s32 $0x5A00, s0;
	s31 =	sadd.s32 $0x15A00, s8;
	[dreg:$0x9] =	wrdreg s24;
	v4 =	vmul.u32 $0x8, v5;
	v5 =	vmul.u32 $0x80, v6;
	v7 =	vsel vm13, $0x1200, v7  }
0x11: {  	s12 =	sadd.s32 $0xDA00, s0;
	s13 =	smax.u32 s4, $0x1;
	[dreg:$0xb] =	wrdreg s26;
	v2 =	vimm.s32 $0x1;
	v3 =	vand.u32 $0x7, v6;
	v7 =	vsel vm14, $0x1280, v7  }
0x12: {  	[tilespmem:$0x1FFF0] =	vst v8;
	[dreg:$0xc] =	wrdreg s31;
	s24 =	simm.s32 $0x1000;
	s26 =	simm.s32 $0x4400;
	v6 =	vor.u32 $0x8, v6;
	v8 =	vor.u32 $0x800, v5;
	v7 =	vsel vm15, $0x1300, v7  }
.LBB2_1:
0x13: {  	s0 =	rddreg [dreg:$0x7];
	s1 =	simm.s32 $0x4380  }
0x14: {  	[tilespmem:s1], [sflag:$0x2] =	stream.linear.gather [hbm4b:s0+s5], $0x20, $0x38;
	[tilespmem:$0x7400] =	vst v63  }
0x15: {  	s11 =	rddreg [dreg:$0x0]  }
0x16: {  	[tilespmem:s5], [sflag:$0x2] =	stream.linear.gather [hbm4b:s11+s5], $0x1000, $0x38;
	[tilespmem:$0x7400] =	vst v63  }
0x17: {  	s14 =	rddreg [dreg:$0x3];
	s15 =	simm.s32 $0x1200  }
0x18: {  	[tilespmem:s15], [sflag:$0x2] =	stream.linear.gather [hbm4b:s14+s5], $0x100, $0x38;
	[tilespmem:$0x7400] =	vst v63  }
0x19: {  	s18 =	rddreg [dreg:$0x8]  }
0x1a: {  	[tilespmem:s16], [sflag:$0x2] =	stream.linear.gather [hbm4b:s18+s5], $0x800, $0x38;
	[tilespmem:$0x7400] =	vst v63  }
0x1b: {  	s21 =	rddreg [dreg:$0x9];
	s2 =	sand.u32 $0x300, s5;
	s1 =	sand.u32 $0x1000, s5  }
0x1c: {  	[tilespmem:s17], [sflag:$0x2] =	stream.linear.gather [hbm4b:s21+s5], $0x800, $0x38;
	[tilespmem:$0x7400] =	vst v63  }
0x1d: {  	s22 =	rddreg [dreg:$0xa];
	s23 =	simm.s32 $0x2300;
	s0 =	sor.u32 s2, s1  }
0x1e: {  	[tilespmem:s23], [sflag:$0x2] =	stream.linear.gather [hbm4b:s22+s5], $0x10, $0x38;
	[tilespmem:$0x7400] =	vst v63  }
0x1f: {  	[tilespmem:s0+$0x2400] =	vst v0  }
0x20: {  	[tilespmem:s0+$0x2410] =	vst v0  }
0x21: {  	[tilespmem:s0+$0x2420] =	vst v0  }
0x22: {  	[tilespmem:s0+$0x2430] =	vst v0  }
0x23: {  	[tilespmem:s0+$0x2440] =	vst v0  }
0x24: {  	[tilespmem:s0+$0x2450] =	vst v0  }
0x25: {  	[tilespmem:s0+$0x2460] =	vst v0  }
0x26: {  	[tilespmem:s0+$0x2470] =	vst v0  }
0x27: {  	[tilespmem:s0+$0x2800] =	vst v0  }
0x28: {  	[tilespmem:s0+$0x2810] =	vst v0  }
0x29: {  	[tilespmem:s0+$0x2820] =	vst v0  }
0x2a: {  	[tilespmem:s0+$0x2830] =	vst v0  }
0x2b: {  	[tilespmem:s0+$0x2840] =	vst v0  }
0x2c: {  	[tilespmem:s0+$0x2850] =	vst v0  }
0x2d: {  	[tilespmem:s0+$0x2860] =	vst v0  }
0x2e: {  	[tilespmem:s0+$0x2870] =	vst v0  }
0x2f: {  	[tilespmem:s0+$0x2C00] =	vst v0  }
0x30: {  	[tilespmem:s0+$0x2C10] =	vst v0  }
0x31: {  	[tilespmem:s0+$0x2C20] =	vst v0  }
0x32: {  	[tilespmem:s0+$0x2C30] =	vst v0  }
0x33: {  	[tilespmem:s0+$0x2C40] =	vst v0  }
0x34: {  	[tilespmem:s0+$0x2C50] =	vst v0  }
0x35: {  	[tilespmem:s0+$0x2C60] =	vst v0  }
0x36: {  	[tilespmem:s0+$0x2C70] =	vst v0  }
0x37: {  	[tilespmem:s0+$0x2380] =	vst v0  }
0x38: {  	[tilespmem:s0+$0x2390] =	vst v0  }
0x39: {  	[tilespmem:s0+$0x23A0] =	vst v0  }
0x3a: {  	[tilespmem:s0+$0x23B0] =	vst v0  }
0x3b: {  	[tilespmem:s0+$0x23C0] =	vst v0  }
0x3c: {  	[tilespmem:s0+$0x23D0] =	vst v0  }
0x3d: {  	[tilespmem:s0+$0x23E0] =	vst v0  }
0x3e: {  	[tilespmem:s0+$0x23F0] =	vst v0  }
0x3f: {  	[tilespmem:s0+$0x2780] =	vst v0  }
0x40: {  	[tilespmem:s0+$0x2790] =	vst v0  }
0x41: {  	[tilespmem:s0+$0x27A0] =	vst v0  }
0x42: {  	[tilespmem:s0+$0x27B0] =	vst v0  }
0x43: {  	[tilespmem:s0+$0x27C0] =	vst v0  }
0x44: {  	[tilespmem:s0+$0x27D0] =	vst v0  }
0x45: {  	[tilespmem:s0+$0x27E0] =	vst v0  }
0x46: {  	s4 =	sand.u32 $0x3, s5;
	[tilespmem:s0+$0x27F0] =	vst v0  }
0x47: {  	s1 =	sshll.u32 s4, $0x8;
	[tilespmem:s0+$0x2B80] =	vst v0  }
0x48: {  	s1 =	sadd.s32 $0x0, s1;
	[tilespmem:s0+$0x2B90] =	vst v0  }
0x49: {  	s2 =	sadd.s32 $0x80, s1;
	[tilespmem:s0+$0x2BA0] =	vst v0  }
0x4a: {  	s4 =	sor.u32 $0xC00, s2;
	[tilespmem:s0+$0x2BB0] =	vst v0  }
0x4b: {  	s14 =	sor.u32 $0xC00, s1;
	[tilespmem:s4+$0x2380] =	vst v0  }
0x4c: {  	s6 =	sor.u32 $0xC10, s2;
	[tilespmem:s14+$0x2380] =	vst v0  }
0x4d: {  	[tilespmem:s6+$0x2380] =	vst v0  }
0x4e: {  	[tilespmem:s0+$0x2BC0] =	vst v0  }
0x4f: {  	[tilespmem:s0+$0x2BD0] =	vst v0  }
0x50: {  	[tilespmem:s0+$0x2BE0] =	vst v0  }
0x51: {  	s7 =	sor.u32 $0xC20, s2;
	[tilespmem:s0+$0x2BF0] =	vst v0  }
0x52: {  	s15 =	sor.u32 $0xC10, s1;
	[tilespmem:s7+$0x2380] =	vst v0  }
0x53: {  	s8 =	sor.u32 $0xC30, s2;
	[tilespmem:s15+$0x2380] =	vst v0  }
0x54: {  	s18 =	sor.u32 $0xC20, s1;
	[tilespmem:s8+$0x2380] =	vst v0  }
0x55: {  	s9 =	sor.u32 $0xC40, s2;
	[tilespmem:s18+$0x2380] =	vst v0  }
0x56: {  	s21 =	sor.u32 $0xC30, s1;
	[tilespmem:s9+$0x2380] =	vst v0  }
0x57: {  	s10 =	sor.u32 $0xC50, s2;
	[tilespmem:s21+$0x2380] =	vst v0  }
0x58: {  	s22 =	sor.u32 $0xC40, s1;
	[tilespmem:s10+$0x2380] =	vst v0  }
0x59: {  	s11 =	sor.u32 $0xC60, s2;
	[tilespmem:s22+$0x2380] =	vst v0  }
0x5a: {  	s31 =	simm.s32 $0x0;
	s23 =	sor.u32 $0xC50, s1;
	[tilespmem:s11+$0x2380] =	vst v0  }
0x5b: {  	s2 =	sor.u32 $0xC70, s2;
	s14 =	sor.u32 $0xC70, s1;
	s4 =	simm.s32 $0x400;
	[tilespmem:s23+$0x2380] =	vst v0  }
0x5c: {  	s0 =	simm.s32 $0x100;
	s15 =	sor.u32 $0xC60, s1;
	s1 =	simm.s32 $0x0;
	[tilespmem:s2+$0x2380] =	vst v0  }
.LBB2_2:
0x5d: {  	s2 =	sand.u32 $0x1000, s4;
	s6 =	sand.u32 $0x300, s0;
	[tilespmem:s15+$0x2380] =	vst v0  }
0x5e: {  	s2 =	sor.u32 s6, s2;
	[tilespmem:s14+$0x2380] =	vst v0  }
0x5f: {  	[tilespmem:s2+$0x2400] =	vst v0  }
0x60: {  	[tilespmem:s2+$0x2410] =	vst v0  }
0x61: {  	[tilespmem:s2+$0x2420] =	vst v0  }
0x62: {  	[tilespmem:s2+$0x2430] =	vst v0  }
0x63: {  	[tilespmem:s2+$0x2440] =	vst v0  }
0x64: {  	[tilespmem:s2+$0x2450] =	vst v0  }
0x65: {  	[tilespmem:s2+$0x2460] =	vst v0  }
0x66: {  	[tilespmem:s2+$0x2470] =	vst v0  }
0x67: {  	[tilespmem:s2+$0x2800] =	vst v0  }
0x68: {  	[tilespmem:s2+$0x2810] =	vst v0  }
0x69: {  	[tilespmem:s2+$0x2820] =	vst v0  }
0x6a: {  	[tilespmem:s2+$0x2830] =	vst v0  }
0x6b: {  	[tilespmem:s2+$0x2840] =	vst v0  }
0x6c: {  	[tilespmem:s2+$0x2850] =	vst v0  }
0x6d: {  	[tilespmem:s2+$0x2860] =	vst v0  }
0x6e: {  	[tilespmem:s2+$0x2870] =	vst v0  }
0x6f: {  	[tilespmem:s2+$0x2C00] =	vst v0  }
0x70: {  	[tilespmem:s2+$0x2C10] =	vst v0  }
0x71: {  	s1 =	sadd.s32 $0x1, s1;
	[tilespmem:s2+$0x2C20] =	vst v0  }
0x72: {  	s6 =	sand.u32 $0x3, s1;
	[tilespmem:s2+$0x2C30] =	vst v0  }
0x73: {  	s6 =	sshll.u32 s6, $0x8;
	[tilespmem:s2+$0x2C40] =	vst v0  }
0x74: {  	s10 =	sadd.s32 s6, s4;
	[tilespmem:s2+$0x2C50] =	vst v0  }
0x75: {  	s9 =	sor.u32 $0xC00, s10;
	s6 =	sor.u32 $0xC10, s10;
	s11 =	sadd.s32 $0x80, s10;
	[tilespmem:s2+$0x2C60] =	vst v0  }
0x76: {  	s8 =	sor.u32 $0xC20, s10;
	s7 =	sor.u32 $0xC30, s10;
	s14 =	sor.u32 $0xC00, s11;
	[tilespmem:s2+$0x2C70] =	vst v0  }
0x77: {  	s21 =	sor.u32 $0xC40, s10;
	s18 =	sor.u32 $0xC50, s10;
	s22 =	sor.u32 $0xC10, s11;
	[tilespmem:s14+$0x2380] =	vst v0  }
0x78: {  	s15 =	sor.u32 $0xC60, s10;
	s14 =	sor.u32 $0xC70, s10;
	s10 =	sor.u32 $0xC20, s11;
	[tilespmem:s22+$0x2380] =	vst v0  }
0x79: {  	s31 =	sadd.s32 $0x2, s31;
	[tilespmem:s10+$0x2380] =	vst v0;
	s10 =	sor.u32 $0xC30, s11  }
0x7a: {  	p0 =	slt.u32 s31, $0xE;
	[tilespmem:s10+$0x2380] =	vst v0;
	s10 =	sor.u32 $0xC40, s11  }
0x7b: {  	[tilespmem:s10+$0x2380] =	vst v0;
	s10 =	sor.u32 $0xC50, s11  }
0x7c: {  	[tilespmem:s10+$0x2380] =	vst v0;
	s10 =	sor.u32 $0xC60, s11  }
0x7d: {  	[tilespmem:s10+$0x2380] =	vst v0;
	s10 =	sor.u32 $0xC70, s11  }
0x7e: {  	[tilespmem:s10+$0x2380] =	vst v0  }
0x7f: {  	[tilespmem:s2+$0x2380] =	vst v0  }
0x80: {  	[tilespmem:s2+$0x2390] =	vst v0  }
0x81: {  	[tilespmem:s2+$0x23A0] =	vst v0  }
0x82: {  	[tilespmem:s2+$0x23B0] =	vst v0  }
0x83: {  	[tilespmem:s2+$0x23C0] =	vst v0  }
0x84: {  	[tilespmem:s2+$0x23D0] =	vst v0  }
0x85: {  	[tilespmem:s2+$0x23E0] =	vst v0  }
0x86: {  	[tilespmem:s2+$0x23F0] =	vst v0  }
0x87: {  	[tilespmem:s2+$0x2780] =	vst v0  }
0x88: {  	[tilespmem:s2+$0x2790] =	vst v0  }
0x89: {  	[tilespmem:s2+$0x27A0] =	vst v0  }
0x8a: {  	[tilespmem:s2+$0x27B0] =	vst v0  }
0x8b: {  	[tilespmem:s2+$0x27C0] =	vst v0  }
0x8c: {  	[tilespmem:s2+$0x27D0] =	vst v0  }
0x8d: {  	[tilespmem:s2+$0x27E0] =	vst v0  }
0x8e: {  	[tilespmem:s2+$0x27F0] =	vst v0  }
0x8f: {  	[tilespmem:s2+$0x2B80] =	vst v0  }
0x90: {  	[tilespmem:s2+$0x2B90] =	vst v0  }
0x91: {  	[tilespmem:s2+$0x2BA0] =	vst v0  }
0x92: {  	[tilespmem:s2+$0x2BB0] =	vst v0  }
0x93: {  	[tilespmem:s9+$0x2380] =	vst v0  }
0x94: {  	[tilespmem:s2+$0x2BC0] =	vst v0  }
0x95: {  	[tilespmem:s2+$0x2BD0] =	vst v0  }
0x96: {  	[tilespmem:s2+$0x2BE0] =	vst v0  }
0x97: {  	[tilespmem:s2+$0x2BF0] =	vst v0  }
.Ltmp0:
0x98: {  	[tilespmem:s6+$0x2380] =	vst v0;
	(pc) =	sbr.rel @p0 .LBB2_2-.Ltmp0, $4  }
0x99: {  	[tilespmem:s8+$0x2380] =	vst v0  }
0x9a: {  	[tilespmem:s7+$0x2380] =	vst v0  }
0x9b: {  	[tilespmem:s21+$0x2380] =	vst v0  }
0x9c: {  	s0 =	sadd.s32 $0x100, s0;
	s4 =	sadd.s32 $0x400, s4;
	[tilespmem:s18+$0x2380] =	vst v0  }
0x9d: {  	[tilespmem:s15+$0x2380] =	vst v0  }
0x9e: {  	[tilespmem:s14+$0x2380] =	vst v0  }
0x9f: {  	[tilespmem:$0x1000] =	vst v1  }
0xa0: {  	[tilespmem:$0x1010] =	vst v1  }
0xa1: {  	[tilespmem:$0x1020] =	vst v1  }
0xa2: {  	[tilespmem:$0x1030] =	vst v1  }
0xa3: {  	[tilespmem:$0x1040] =	vst v1  }
0xa4: {  	[tilespmem:$0x1050] =	vst v1  }
0xa5: {  	[tilespmem:$0x1060] =	vst v1  }
0xa6: {  	[tilespmem:$0x1070] =	vst v1  }
0xa7: {  	[tilespmem:$0x1080] =	vst v1  }
0xa8: {  	[tilespmem:$0x1090] =	vst v1  }
0xa9: {  	[tilespmem:$0x10A0] =	vst v1  }
0xaa: {  	[tilespmem:$0x10B0] =	vst v1  }
0xab: {  	[tilespmem:$0x10C0] =	vst v1  }
0xac: {  	[tilespmem:$0x10D0] =	vst v1  }
0xad: {  	[tilespmem:$0x10E0] =	vst v1  }
0xae: {  	[tilespmem:$0x10F0] =	vst v1  }
0xaf: {  	[tilespmem:$0x1100] =	vst v1  }
0xb0: {  	[tilespmem:$0x1110] =	vst v1  }
0xb1: {  	[tilespmem:$0x1120] =	vst v1  }
0xb2: {  	[tilespmem:$0x1130] =	vst v1  }
0xb3: {  	[tilespmem:$0x1140] =	vst v1  }
0xb4: {  	[tilespmem:$0x1150] =	vst v1  }
0xb5: {  	[tilespmem:$0x1160] =	vst v1  }
0xb6: {  	[tilespmem:$0x1170] =	vst v1  }
0xb7: {  	[tilespmem:$0x1180] =	vst v1  }
0xb8: {  	[tilespmem:$0x1190] =	vst v1  }
0xb9: {  	[tilespmem:$0x11A0] =	vst v1  }
0xba: {  	[tilespmem:$0x11B0] =	vst v1  }
0xbb: {  	[tilespmem:$0x11C0] =	vst v1  }
0xbc: {  	[tilespmem:$0x11D0] =	vst v1  }
0xbd: {  	[tilespmem:$0x11E0] =	vst v1  }
0xbe: {  	[tilespmem:$0x11F0] =	vst v1  }
0xbf: {  	_ =	swait.ge [sflag:s19], $0x20  }
0xc0: {  	[sflag:s19] =	ssyncset.done $0x0  }
0xc1: {  	[sflag:s19] =	ssyncadd.s32 $0xFFFFFFE0  }
0xc2: {  	_ =	swait.ge [sflag:s19], $0x1000  }
0xc3: {  	[sflag:s19] =	ssyncset.done $0x0  }
0xc4: {  	[sflag:s19] =	ssyncadd.s32 $0xFFFFF000  }
0xc5: {  	_ =	swait.ge [sflag:s19], $0x100  }
0xc6: {  	[sflag:s19] =	ssyncset.done $0x0  }
0xc7: {  	[sflag:s19] =	ssyncadd.s32 $0xFFFFFF00  }
0xc8: {  	_ =	swait.ge [sflag:s19], $0x800  }
0xc9: {  	[sflag:s19] =	ssyncset.done $0x0  }
0xca: {  	[sflag:s19] =	ssyncadd.s32 $0xFFFFF800  }
0xcb: {  	_ =	swait.ge [sflag:s19], $0x800  }
0xcc: {  	[sflag:s19] =	ssyncset.done $0x0  }
0xcd: {  	[sflag:s19] =	ssyncadd.s32 $0xFFFFF800  }
0xce: {  	_ =	swait.ge [sflag:s19], $0x10  }
0xcf: {  	[sflag:s19] =	ssyncset.done $0x0  }
0xd0: {  	[sflag:s19] =	ssyncadd.s32 $0xFFFFFFF0  }
0xd1: {  	v9 =	vld [tilespmem:$0x4380];
	_ =	sdelay $0x4  }
0xd2: {  	v10 =	vshll.u32 v9, $0x1  }
0xd3: {  	v9 =	vand.u32 $0x7, v9;
	v10 =	vand.u32 $0xFFFFFFF0, v10  }
0xd4: {  	v9 =	vor.u32 v9, v10  }
0xd5: {  	v10 =	vperm.xlane v9, v3  }
0xd6: {  	v11 =	vld [tilespmem:$0x1FFF0]  }
0xd7: {  	v9 =	vperm.xlane v9, v6;
	v10 =	vadd.s32 v4, v10;
	_ =	sdelay $0x1  }
0xd8: {  	v9 =	vadd.s32 v4, v9;
	_ =	sdelay $0x1  }
0xd9: {  	s31 =	simm.s32 $0x0;
	vm0 =	vnez.u8 v11  }
0xda: {  	[tilespmem:s20], [sflag:$0x1] =	stream.indirect_vreg.gather [hbm4b:s3+s31], $0x80, v10, vm0, $0xb8;
	[tilespmem:$0x7400] =	vst v63  }
0xdb: {  	s0 =	simm.s32 $0x5C00  }
0xdc: {  	[tilespmem:s0], [sflag:$0x1] =	stream.indirect_vreg.gather [hbm4b:s3+s31], $0x80, v9, vm0, $0xb8;
	[tilespmem:$0x7400] =	vst v63  }
0xdd: {  	v9 =	vld [tilespmem:$0x4390];
	_ =	sdelay $0x4  }
0xde: {  	v10 =	vshll.u32 v9, $0x1  }
0xdf: {  	v9 =	vand.u32 $0x7, v9;
	v10 =	vand.u32 $0xFFFFFFF0, v10  }
0xe0: {  	v9 =	vor.u32 v9, v10  }
0xe1: {  	v10 =	vperm.xlane v9, v3;
	_ =	sdelay $0x1  }
0xe2: {  	v9 =	vperm.xlane v9, v6;
	v10 =	vadd.s32 v4, v10;
	_ =	sdelay $0x1  }
0xe3: {  	v9 =	vadd.s32 v4, v9;
	_ =	sdelay $0x1  }
0xe4: {  	s10 =	simm.s32 $0x6400  }
0xe5: {  	[tilespmem:s10], [sflag:$0x1] =	stream.indirect_vreg.gather [hbm4b:s3+s31], $0x80, v10, vm0, $0xb8;
	[tilespmem:$0x7400] =	vst v63  }
0xe6: {  	s11 =	simm.s32 $0x6C00  }
0xe7: {  	[tilespmem:s11], [sflag:$0x1] =	stream.indirect_vreg.gather [hbm4b:s3+s31], $0x80, v9, vm0, $0xb8;
	[tilespmem:$0x7400] =	vst v63  }
0xe8: {  	v9 =	vld [tilespmem:$0x1200];
	_ =	sdelay $0x7  }
0xe9: {  	[tilespmem:v9+s24+$0x0] =	vst.idx.msk $0xffff, v2  }
0xea: {  	v9 =	vld [tilespmem:$0x1210];
	_ =	sdelay $0x7  }
0xeb: {  	[tilespmem:v9+s24+$0x0] =	vst.idx.msk $0xffff, v2  }
0xec: {  	v9 =	vld [tilespmem:$0x1220];
	_ =	sdelay $0x7  }
0xed: {  	[tilespmem:v9+s24+$0x0] =	vst.idx.msk $0xffff, v2  }
0xee: {  	v9 =	vld [tilespmem:$0x1230];
	_ =	sdelay $0x7  }
0xef: {  	[tilespmem:v9+s24+$0x0] =	vst.idx.msk $0xffff, v2  }
0xf0: {  	v9 =	vld [tilespmem:$0x1240];
	_ =	sdelay $0x7  }
0xf1: {  	[tilespmem:v9+s24+$0x0] =	vst.idx.msk $0xffff, v2  }
0xf2: {  	v9 =	vld [tilespmem:$0x1250];
	_ =	sdelay $0x7  }
0xf3: {  	[tilespmem:v9+s24+$0x0] =	vst.idx.msk $0xffff, v2  }
0xf4: {  	v9 =	vld [tilespmem:$0x1260];
	_ =	sdelay $0x7  }
0xf5: {  	[tilespmem:v9+s24+$0x0] =	vst.idx.msk $0xffff, v2  }
0xf6: {  	v9 =	vld [tilespmem:$0x1270];
	_ =	sdelay $0x7  }
0xf7: {  	[tilespmem:v9+s24+$0x0] =	vst.idx.msk $0xffff, v2  }
0xf8: {  	v9 =	vld [tilespmem:$0x1280];
	_ =	sdelay $0x7  }
0xf9: {  	[tilespmem:v9+s24+$0x0] =	vst.idx.msk $0xffff, v2  }
0xfa: {  	v9 =	vld [tilespmem:$0x1290];
	_ =	sdelay $0x7  }
0xfb: {  	[tilespmem:v9+s24+$0x0] =	vst.idx.msk $0xffff, v2  }
0xfc: {  	v9 =	vld [tilespmem:$0x12A0];
	_ =	sdelay $0x7  }
0xfd: {  	[tilespmem:v9+s24+$0x0] =	vst.idx.msk $0xffff, v2  }
0xfe: {  	v9 =	vld [tilespmem:$0x12B0];
	_ =	sdelay $0x7  }
0xff: {  	[tilespmem:v9+s24+$0x0] =	vst.idx.msk $0xffff, v2  }
0x100: {  	v9 =	vld [tilespmem:$0x12C0];
	_ =	sdelay $0x7  }
0x101: {  	[tilespmem:v9+s24+$0x0] =	vst.idx.msk $0xffff, v2  }
0x102: {  	v9 =	vld [tilespmem:$0x12D0];
	_ =	sdelay $0x7  }
0x103: {  	[tilespmem:v9+s24+$0x0] =	vst.idx.msk $0xffff, v2  }
0x104: {  	v9 =	vld [tilespmem:$0x12E0];
	_ =	sdelay $0x7  }
0x105: {  	[tilespmem:v9+s24+$0x0] =	vst.idx.msk $0xffff, v2  }
0x106: {  	v9 =	vld [tilespmem:$0x12F0];
	_ =	sdelay $0x2  }
0x107: {  	s14 =	simm.s32 $0xF  }
0x108: {  	v10 =	vor.u32 s14, v5  }
0x109: {  	s4 =	simm.s32 $0xB  }
0x10a: {  	s6 =	simm.s32 $0x1;
	v13 =	vor.u32 s4, v5  }
0x10b: {  	s2 =	simm.s32 $0x8;
	v11 =	vor.u32 s6, v5  }
0x10c: {  	s1 =	simm.s32 $0x4;
	v14 =	vor.u32 s2, v5;
	[tilespmem:v9+s24+$0x0] =	vst.idx.msk $0xffff, v2  }
0x10d: {  	v16 =	vor.u32 s1, v5;
	v15 =	vld.idx.msk [tilespmem:v10+s16+$0x0], $0xffff  }
0x10e: {  	s7 =	simm.s32 $0x3;
	v9 =	vld [tilespmem:$0x2300]  }
0x10f: {  	v22 =	vor.u32 s7, v5;
	v21 =	vld.idx.msk [tilespmem:v13+s17+$0x0], $0xffff  }
0x110: {  	s8 =	simm.s32 $0x9;
	v17 =	vld.idx.msk [tilespmem:v11+s16+$0x0], $0xffff  }
0x111: {  	s9 =	simm.s32 $0xC;
	v12 =	vor.u32 s8, v5;
	v23 =	vld.idx.msk [tilespmem:v14+s16+$0x0], $0xffff  }
0x112: {  	v19 =	vor.u32 s9, v5;
	s10 =	simm.s32 $0xD;
	v24 =	vld.idx.msk [tilespmem:v16+s17+$0x0], $0xffff  }
0x113: {  	v20 =	vor.u32 s10, v5;
	v13 =	vld.idx.msk [tilespmem:v13+s16+$0x0], $0xffff  }
0x114: {  	s15 =	simm.s32 $0x6;
	v18 =	vor.u32 s31, v5;
	v26 =	vld.idx.msk [tilespmem:v22+s16+$0x0], $0xffff  }
0x115: {  	s21 =	simm.s32 $0xA;
	v28 =	vor.u32 s15, v5;
	v27 =	vld.idx.msk [tilespmem:v14+s17+$0x0], $0xffff  }
0x116: {  	v30 =	vor.u32 s21, v5;
	v29 =	vld.idx.msk [tilespmem:v12+s16+$0x0], $0xffff  }
0x117: {  	v31 =	vld.idx.msk [tilespmem:v19+s16+$0x0], $0xffff  }
0x118: {  	v32 =	vld.idx.msk [tilespmem:v20+s16+$0x0], $0xffff  }
0x119: {  	s22 =	simm.s32 $0x2;
	v34 =	vld.idx.msk [tilespmem:v18+s16+$0x0], $0xffff  }
0x11a: {  	v49 =	vor.u32 s22, v5;
	v35 =	vld.idx.msk [tilespmem:v28+s16+$0x0], $0xffff  }
0x11b: {  	v36 =	vld.idx.msk [tilespmem:v30+s16+$0x0], $0xffff  }
0x11c: {  	v38 =	vld.idx.msk [tilespmem:v20+s17+$0x0], $0xffff  }
0x11d: {  	v39 =	vld.idx.msk [tilespmem:v19+s17+$0x0], $0xffff  }
0x11e: {  	v16 =	vld.idx.msk [tilespmem:v16+s16+$0x0], $0xffff  }
0x11f: {  	s18 =	simm.s32 $0x7;
	v53 =	vld.idx.msk [tilespmem:v49+s16+$0x0], $0xffff  }
0x120: {  	v14 =	vor.u32 s18, v5;
	v12 =	vld.idx.msk [tilespmem:v12+s17+$0x0], $0xffff  }
0x121: {  	s11 =	simm.s32 $0xE;
	v25 =	vld.idx.msk [tilespmem:v15+s5+$0x0], $0xffff  }
0x122: {  	v15 =	vor.u32 s11, v5;
	v13 =	vld.idx.msk [tilespmem:v13+s5+$0x0], $0xffff  }
0x123: {  	v37 =	vld.idx.msk [tilespmem:v17+s5+$0x0], $0xffff  }
0x124: {  	v31 =	vld.idx.msk [tilespmem:v31+s5+$0x0], $0xffff  }
0x125: {  	v17 =	vld.idx.msk [tilespmem:v14+s16+$0x0], $0xffff  }
0x126: {  	v36 =	vld.idx.msk [tilespmem:v36+s5+$0x0], $0xffff  }
0x127: {  	v33 =	vld.idx.msk [tilespmem:v15+s16+$0x0], $0xffff  }
0x128: {  	v35 =	vld.idx.msk [tilespmem:v35+s5+$0x0], $0xffff  }
0x129: {  	v29 =	vld.idx.msk [tilespmem:v29+s5+$0x0], $0xffff  }
0x12a: {  	v19 =	vld.idx.msk [tilespmem:v26+s5+$0x0], $0xffff  }
0x12b: {  	v20 =	vld.idx.msk [tilespmem:v32+s5+$0x0], $0xffff  }
0x12c: {  	v62 =	vld.idx.msk [tilespmem:v16+s5+$0x0], $0xffff  }
0x12d: {  	v26 =	vld.idx.msk [tilespmem:v15+s17+$0x0], $0xffff  }
0x12e: {  	vm1 =	vgt.s32 v9, s6;
	vm0 =	vgt.s32 v9, s4;
	v15 =	vld.idx.msk [tilespmem:v23+s5+$0x0], $0xffff  }
0x12f: {  	vm3 =	vgt.s32 v9, s14;
	vm4 =	vgt.s32 v9, s15;
	vm5 =	vgt.s32 v9, s18;
	v33 =	vld.idx.msk [tilespmem:v33+s5+$0x0], $0xffff  }
0x130: {  	vm7 =	vgt.s32 v9, s7;
	vm6 =	vgt.s32 v9, s2;
	vm8 =	vgt.s32 v9, s1;
	v16 =	vld.idx.msk [tilespmem:v31+s24+$0x0], $0xffff  }
0x131: {  	vm2 =	vgt.s32 v9, s8;
	vm9 =	vgt.s32 v9, s21;
	vm10 =	vgt.s32 v9, s9;
	v23 =	vld.idx.msk [tilespmem:v29+s24+$0x0], $0xffff  }
0x132: {  	vm11 =	vgt.s32 v9, s10;
	vm12 =	vgt.s32 v9, s11;
	v50 =	vshll.u32 v13, $0x3;
	v41 =	vld.idx.msk [tilespmem:v35+s24+$0x0], $0xffff  }
0x133: {  	v55 =	vshll.u32 v36, $0x3;
	v56 =	vand.u32 $0x7F, v31;
	v57 =	vshll.u32 v35, $0x3;
	v43 =	vld.idx.msk [tilespmem:v20+s24+$0x0], $0xffff  }
0x134: {  	v58 =	vshll.u32 v62, $0x3;
	v32 =	vand.u32 $0x7F, v62;
	v44 =	vld.idx.msk [tilespmem:v62+s24+$0x0], $0xffff;
	v31 =	vshll.u32 v31, $0x3  }
0x135: {  	v63 =	vld.idx.msk [tilespmem:v19+s24+$0x0], $0xffff;
	v35 =	vand.u32 $0x7F, v35;
	v62 =	vshll.u32 v20, $0x3;
	v31 =	vand.u32 $0xFFFFFC00, v31  }
0x136: {  	v20 =	vand.u32 $0x7F, v20;
	v31 =	vor.u32 v56, v31;
	vm15 =	vgt.s32 v23, $0x0;
	v23 =	vld.idx.msk [tilespmem:v13+s24+$0x0], $0xffff  }
0x137: {  	vm14 =	vgt.s32 v16, $0x0;
	v13 =	vand.u32 $0x7F, v13;
	vm2 =	vmand vm2, vm15;
	v40 =	vld.idx.msk [tilespmem:v33+s24+$0x0], $0xffff  }
0x138: {  	v42 =	vld.idx.msk [tilespmem:v36+s24+$0x0], $0xffff;
	vm15 =	vgt.s32 v41, $0x0;
	v41 =	vand.u32 $0xFFFFFC00, v50;
	v51 =	vshll.u32 v33, $0x3  }
0x139: {  	v30 =	vld.idx.msk [tilespmem:v30+s17+$0x0], $0xffff;
	v13 =	vor.u32 v13, v41;
	v41 =	vand.u32 $0xFFFFFC00, v51;
	v33 =	vand.u32 $0x7F, v33  }
0x13a: {  	v61 =	vld.idx.msk [tilespmem:v53+s5+$0x0], $0xffff;
	v31 =	vadd.s32 v7, v31;
	vm10 =	vmand vm10, vm14;
	v33 =	vor.u32 v33, v41  }
0x13b: {  	s23 =	simm.s32 $0x5;
	v17 =	vld.idx.msk [tilespmem:v17+s5+$0x0], $0xffff;
	vm14 =	vgt.s32 v63, $0x0;
	v39 =	vnsel vm10, $0x0, v39;
	v33 =	vadd.s32 v7, v33  }
0x13c: {  	v16 =	vld.idx.msk [tilespmem:v25+s24+$0x0], $0xffff;
	v12 =	vnsel vm2, $0x0, v12;
	vm2 =	vgt.s32 v9, s23;
	vm13 =	vgt.s32 v40, $0x0  }
0x13d: {  	v22 =	vld.idx.msk [tilespmem:v22+s17+$0x0], $0xffff;
	v54 =	vadd.s32 v7, v13;
	vm12 =	vmand vm12, vm13;
	vm13 =	vgt.s32 v42, $0x0  }
0x13e: {  	v45 =	vld.idx.msk [tilespmem:v15+s24+$0x0], $0xffff;
	v26 =	vnsel vm12, $0x0, v26;
	vm9 =	vmand vm9, vm13;
	vm12 =	vgt.s32 v43, $0x0  }
0x13f: {  	v28 =	vld.idx.msk [tilespmem:v28+s17+$0x0], $0xffff;
	vm13 =	vgt.s32 v44, $0x0;
	v30 =	vnsel vm9, $0x0, v30;
	vm9 =	vmand vm11, vm12  }
0x140: {  	vm8 =	vmand vm8, vm13;
	[tilespmem:v33+s25+$0x0] =	vst.idx.add.f32.msk $0xffff, v26;
	v26 =	vshll.u32 v61, $0x3;
	v38 =	vnsel vm9, $0x0, v38  }
0x141: {  	v46 =	vld.idx.msk [tilespmem:v37+s24+$0x0], $0xffff;
	v24 =	vnsel vm8, $0x0, v24;
	vm9 =	vmand vm7, vm14;
	vm7 =	vgt.s32 v16, $0x0  }
0x142: {  	v34 =	vld.idx.msk [tilespmem:v34+s5+$0x0], $0xffff;
	vm8 =	vmand vm4, vm15;
	v16 =	vnsel vm9, $0x0, v22;
	v22 =	vor.u32 s23, v5  }
0x143: {  	vm4 =	vgt.s32 v45, $0x0;
	v45 =	vld.idx.msk [tilespmem:v10+s17+$0x0], $0xffff;
	v10 =	vshll.u32 v29, $0x3;
	v29 =	vand.u32 $0x7F, v29  }
0x144: {  	v47 =	vld.idx.msk [tilespmem:v17+s24+$0x0], $0xffff;
	v26 =	vand.u32 $0xFFFFFC00, v26;
	vm7 =	vmand vm3, vm7;
	vm3 =	vmand vm6, vm4  }
0x145: {  	vm4 =	vgt.s32 v23, $0x0;
	v28 =	vnsel vm8, $0x0, v28;
	v60 =	vand.u32 $0xFFFFFC00, v10  }
0x146: {  	vm0 =	vmand vm0, vm4;
	v23 =	vnsel vm3, $0x0, v27;
	vm3 =	vgt.s32 v46, $0x0;
	v46 =	vld.idx.msk [tilespmem:v14+s17+$0x0], $0xffff  }
0x147: {  	v27 =	vshll.u32 v25, $0x3;
	v25 =	vand.u32 $0x7F, v25;
	v14 =	vshll.u32 v19, $0x3;
	v52 =	vld.idx.msk [tilespmem:v22+s16+$0x0], $0xffff  }
0x148: {  	v29 =	vor.u32 v29, v60;
	v21 =	vnsel vm0, $0x0, v21;
	v27 =	vand.u32 $0xFFFFFC00, v27  }
0x149: {  	vm0 =	vgt.s32 v47, $0x0;
	v27 =	vor.u32 v25, v27;
	v25 =	vshll.u32 v37, $0x3  }
0x14a: {  	v14 =	vand.u32 $0xFFFFFC00, v14;
	v37 =	vand.u32 $0x7F, v37;
	v25 =	vand.u32 $0xFFFFFC00, v25  }
0x14b: {  	v48 =	vld.idx.msk [tilespmem:v34+s24+$0x0], $0xffff;
	v37 =	vor.u32 v37, v25;
	v25 =	vshll.u32 v34, $0x3;
	v34 =	vand.u32 $0x7F, v34  }
0x14c: {  	v10 =	vld.idx.msk [tilespmem:v22+s17+$0x0], $0xffff;
	v22 =	vand.u32 $0x7F, v19;
	v19 =	vand.u32 $0xFFFFFC00, v62;
	v25 =	vand.u32 $0xFFFFFC00, v25  }
0x14d: {  	v19 =	vor.u32 v20, v19;
	v14 =	vor.u32 v22, v14;
	v20 =	vshll.u32 v17, $0x3  }
0x14e: {  	v13 =	vor.u32 v34, v25;
	v25 =	vand.u32 $0x7F, v36;
	v34 =	vand.u32 $0xFFFFFC00, v55  }
0x14f: {  	v19 =	vadd.s32 v7, v19;
	v25 =	vor.u32 v25, v34;
	v34 =	vand.u32 $0xFFFFFC00, v58;
	v59 =	vld.idx.msk [tilespmem:v52+s5+$0x0], $0xffff  }
0x150: {  	v18 =	vld.idx.msk [tilespmem:v18+s17+$0x0], $0xffff;
	v17 =	vand.u32 $0x7F, v17;
	v25 =	vadd.s32 v7, v25;
	v32 =	vor.u32 v32, v34  }
0x151: {  	v63 =	vld.idx.msk [tilespmem:v61+s24+$0x0], $0xffff;
	v22 =	vshll.u32 v15, $0x3;
	v20 =	vand.u32 $0xFFFFFC00, v20;
	v32 =	vadd.s32 v7, v32  }
0x152: {  	[tilespmem:v31+s25+$0x0] =	vst.idx.add.f32.msk $0xffff, v39;
	v15 =	vand.u32 $0x7F, v15;
	v17 =	vor.u32 v17, v20;
	v20 =	vand.u32 $0xFFFFFC00, v22  }
0x153: {  	vm4 =	vmand vm1, vm3;
	vm1 =	vgt.s32 v9, s31;
	[tilespmem:v54+s25+$0x0] =	vst.idx.add.f32.msk $0xffff, v21;
	v15 =	vor.u32 v15, v20  }
0x154: {  	vm3 =	vmand vm5, vm0;
	vm0 =	vgt.s32 v48, $0x0;
	v15 =	vadd.s32 v7, v15;
	[tilespmem:v19+s25+$0x0] =	vst.idx.add.f32.msk $0xffff, v38  }
0x155: {  	vm5 =	vgt.s32 v9, s22;
	[tilespmem:v25+s25+$0x0] =	vst.idx.add.f32.msk $0xffff, v30;
	v25 =	vadd.s32 v7, v14;
	v14 =	vand.u32 $0xFFFFFC00, v57  }
0x156: {  	vm6 =	vmand vm1, vm0;
	v31 =	vadd.s32 v7, v27;
	[tilespmem:v32+s25+$0x0] =	vst.idx.add.f32.msk $0xffff, v24;
	v22 =	vor.u32 v35, v14  }
0x157: {  	v27 =	vadd.s32 v7, v37;
	v14 =	vnsel vm6, $0x0, v18;
	v18 =	vadd.s32 v7, v22;
	v20 =	vld.idx.msk [tilespmem:v59+s24+$0x0], $0xffff  }
0x158: {  	v13 =	vadd.s32 v7, v13;
	v30 =	vadd.s32 v7, v17;
	v24 =	vadd.s32 v7, v29;
	v29 =	vld.idx.msk [tilespmem:v11+s17+$0x0], $0xffff  }
0x159: {  	v11 =	vand.u32 $0x7F, v61;
	[tilespmem:v15+s25+$0x0] =	vst.idx.add.f32.msk $0xffff, v23;
	v15 =	vnsel vm7, $0x0, v45;
	v17 =	vshll.u32 v59, $0x3  }
0x15a: {  	v22 =	vld.idx.msk [tilespmem:v49+s17+$0x0], $0xffff;
	v11 =	vor.u32 v11, v26;
	v19 =	vand.u32 $0x7F, v59;
	v17 =	vand.u32 $0xFFFFFC00, v17  }
0x15b: {  	vm0 =	vgt.s32 v63, $0x0;
	[tilespmem:v31+s25+$0x0] =	vst.idx.add.f32.msk $0xffff, v15;
	v23 =	vadd.s32 v7, v11;
	v17 =	vor.u32 v19, v17  }
0x15c: {  	s31 =	simm.s32 $0x10;
	v11 =	vnsel vm3, $0x0, v46;
	v26 =	vadd.s32 v7, v17;
	[tilespmem:v18+s25+$0x0] =	vst.idx.add.f32.msk $0xffff, v28;
	vm1 =	vgt.s32 v20, $0x0  }
.LBB2_4:
0x15d: {  	[tilespmem:v30+s25+$0x0] =	vst.idx.add.f32.msk $0xffff, v11  }
0x15e: {  	[tilespmem:v24+s25+$0x0] =	vst.idx.add.f32.msk $0xffff, v12  }
0x15f: {  	v21 =	vor.u32 s31, v5;
	vm1 =	vmand vm2, vm1;
	[tilespmem:v25+s25+$0x0] =	vst.idx.add.f32.msk $0xffff, v16  }
0x160: {  	s4 =	sadd.s32 $0xB, s31;
	vm0 =	vmand vm5, vm0;
	[tilespmem:v13+s25+$0x0] =	vst.idx.add.f32.msk $0xffff, v14;
	v10 =	vnsel vm1, $0x0, v10  }
0x161: {  	s2 =	sadd.s32 $0xF, s31;
	v19 =	vor.u32 s4, v5;
	v13 =	vnsel vm0, $0x0, v22;
	[tilespmem:v26+s25+$0x0] =	vst.idx.add.f32.msk $0xffff, v10  }
0x162: {  	v17 =	vor.u32 s2, v5;
	[tilespmem:v23+s25+$0x0] =	vst.idx.add.f32.msk $0xffff, v13;
	v15 =	vnsel vm4, $0x0, v29  }
0x163: {  	s14 =	sadd.s32 $0x1, s31;
	[tilespmem:v27+s25+$0x0] =	vst.idx.add.f32.msk $0xffff, v15  }
0x164: {  	s15 =	smov.u32 s31;
	v11 =	vor.u32 s14, v5;
	v14 =	vld.idx.msk [tilespmem:v21+s17+$0x0], $0xffff  }
0x165: {  	s1 =	sadd.s32 $0x3, s15;
	v41 =	vld.idx.msk [tilespmem:v21+s16+$0x0], $0xffff  }
0x166: {  	s23 =	sadd.s32 $0x6, s15;
	v10 =	vor.u32 s1, v5;
	v16 =	vld.idx.msk [tilespmem:v19+s17+$0x0], $0xffff  }
0x167: {  	s22 =	sadd.s32 $0x2, s15;
	v13 =	vor.u32 s23, v5;
	v15 =	vld.idx.msk [tilespmem:v17+s17+$0x0], $0xffff  }
0x168: {  	s7 =	sadd.s32 $0x8, s15;
	v12 =	vor.u32 s22, v5;
	v23 =	vld.idx.msk [tilespmem:v17+s16+$0x0], $0xffff  }
0x169: {  	s0 =	sadd.s32 $0x4, s15;
	v20 =	vor.u32 s7, v5;
	v31 =	vld.idx.msk [tilespmem:v11+s16+$0x0], $0xffff  }
0x16a: {  	v28 =	vor.u32 s0, v5;
	v32 =	vld.idx.msk [tilespmem:v19+s16+$0x0], $0xffff  }
0x16b: {  	v17 =	vld.idx.msk [tilespmem:v10+s17+$0x0], $0xffff  }
0x16c: {  	s11 =	sadd.s32 $0x5, s15;
	v18 =	vld.idx.msk [tilespmem:v13+s17+$0x0], $0xffff  }
0x16d: {  	s10 =	sadd.s32 $0xD, s15;
	v26 =	vor.u32 s11, v5;
	v24 =	vld.idx.msk [tilespmem:v12+s16+$0x0], $0xffff  }
0x16e: {  	v35 =	vor.u32 s10, v5;
	v27 =	vld.idx.msk [tilespmem:v20+s16+$0x0], $0xffff  }
0x16f: {  	v22 =	vld.idx.msk [tilespmem:v28+s17+$0x0], $0xffff  }
0x170: {  	s9 =	sadd.s32 $0xE, s15;
	v37 =	vld.idx.msk [tilespmem:v10+s16+$0x0], $0xffff  }
0x171: {  	s21 =	sadd.s32 $0xA, s15;
	v36 =	vor.u32 s9, v5;
	v20 =	vld.idx.msk [tilespmem:v20+s17+$0x0], $0xffff  }
0x172: {  	s6 =	sadd.s32 $0x7, s15;
	v25 =	vor.u32 s21, v5;
	v30 =	vld.idx.msk [tilespmem:v26+s16+$0x0], $0xffff  }
0x173: {  	v33 =	vor.u32 s6, v5;
	v39 =	vld.idx.msk [tilespmem:v35+s16+$0x0], $0xffff  }
0x174: {  	v10 =	vld.idx.msk [tilespmem:v26+s17+$0x0], $0xffff  }
0x175: {  	s18 =	sadd.s32 $0x9, s15;
	v13 =	vld.idx.msk [tilespmem:v13+s16+$0x0], $0xffff  }
0x176: {  	v29 =	vor.u32 s18, v5;
	v40 =	vld.idx.msk [tilespmem:v36+s16+$0x0], $0xffff  }
0x177: {  	s8 =	sadd.s32 $0xC, s15;
	v42 =	vld.idx.msk [tilespmem:v25+s16+$0x0], $0xffff  }
0x178: {  	v34 =	vor.u32 s8, v5;
	v21 =	vld.idx.msk [tilespmem:v33+s17+$0x0], $0xffff  }
0x179: {  	v33 =	vld.idx.msk [tilespmem:v33+s16+$0x0], $0xffff  }
0x17a: {  	v46 =	vld.idx.msk [tilespmem:v28+s16+$0x0], $0xffff  }
0x17b: {  	v19 =	vld.idx.msk [tilespmem:v29+s17+$0x0], $0xffff  }
0x17c: {  	v38 =	vld.idx.msk [tilespmem:v29+s16+$0x0], $0xffff  }
0x17d: {  	v29 =	vld.idx.msk [tilespmem:v34+s16+$0x0], $0xffff  }
0x17e: {  	v23 =	vld.idx.msk [tilespmem:v23+s5+$0x0], $0xffff  }
0x17f: {  	vm0 =	vgt.s32 v9, s15;
	v32 =	vld.idx.msk [tilespmem:v32+s5+$0x0], $0xffff  }
0x180: {  	vm6 =	vgt.s32 v9, s2;
	vm5 =	vgt.s32 v9, s22;
	vm2 =	vgt.s32 v9, s11;
	v26 =	vld.idx.msk [tilespmem:v31+s5+$0x0], $0xffff  }
0x181: {  	vm8 =	vgt.s32 v9, s23;
	vm7 =	vgt.s32 v9, s6;
	vm10 =	vgt.s32 v9, s1;
	v40 =	vld.idx.msk [tilespmem:v40+s5+$0x0], $0xffff  }
0x182: {  	vm9 =	vgt.s32 v9, s7;
	vm11 =	vgt.s32 v9, s0;
	v31 =	vimm.s32 $0x0;
	v42 =	vld.idx.msk [tilespmem:v42+s5+$0x0], $0xffff  }
0x183: {  	vm12 =	vgt.s32 v9, s18;
	vm14 =	vgt.s32 v9, s21;
	v31 =	vsel vm0, $0xFFFFFFFF, v31;
	v56 =	vld.idx.msk [tilespmem:v13+s5+$0x0], $0xffff  }
0x184: {  	vm15 =	vgt.s32 v9, s8;
	vm0 =	vgt.s32 v9, s14;
	v37 =	vld.idx.msk [tilespmem:v37+s5+$0x0], $0xffff;
	[tilespmem:$0x1FFE0] =	vst v31;
	v31 =	vimm.s32 $0x0  }
0x185: {  	vm13 =	vgt.s32 v9, s10;
	vm4 =	vgt.s32 v9, s4;
	v39 =	vld.idx.msk [tilespmem:v39+s5+$0x0], $0xffff;
	v31 =	vsel vm0, $0xFFFFFFFF, v31  }
0x186: {  	v43 =	vld.idx.msk [tilespmem:v29+s5+$0x0], $0xffff;
	vm0 =	vgt.s32 v9, s9;
	v29 =	vshll.u32 v23, $0x3;
	v52 =	vshll.u32 v32, $0x3  }
0x187: {  	v38 =	vld.idx.msk [tilespmem:v38+s5+$0x0], $0xffff;
	v44 =	vand.u32 $0x7F, v23;
	v53 =	vand.u32 $0x7F, v32;
	v54 =	vshll.u32 v26, $0x3  }
0x188: {  	[tilespmem:$0x1FFD0] =	vst v31;
	v31 =	vld.idx.msk [tilespmem:v35+s17+$0x0], $0xffff;
	v55 =	vand.u32 $0x7F, v26;
	v45 =	vand.u32 $0xFFFFFC00, v29;
	v35 =	vand.u32 $0xFFFFFC00, v52  }
0x189: {  	v29 =	vld.idx.msk [tilespmem:v41+s5+$0x0], $0xffff;
	v41 =	vand.u32 $0xFFFFFC00, v54;
	v13 =	vshll.u32 v40, $0x3;
	v58 =	vand.u32 $0x7F, v42  }
0x18a: {  	v46 =	vld.idx.msk [tilespmem:v46+s5+$0x0], $0xffff;
	v49 =	vshll.u32 v42, $0x3;
	v52 =	vand.u32 $0x7F, v56;
	v60 =	vand.u32 $0x7F, v37  }
0x18b: {  	v36 =	vld.idx.msk [tilespmem:v36+s17+$0x0], $0xffff;
	v61 =	vshll.u32 v37, $0x3;
	v63 =	vshll.u32 v39, $0x3;
	v44 =	vor.u32 v44, v45  }
0x18c: {  	v34 =	vld.idx.msk [tilespmem:v34+s17+$0x0], $0xffff;
	v35 =	vor.u32 v53, v35;
	v41 =	vor.u32 v55, v41;
	v47 =	vand.u32 $0xFFFFFC00, v13  }
0x18d: {  	v33 =	vld.idx.msk [tilespmem:v33+s5+$0x0], $0xffff;
	v49 =	vand.u32 $0xFFFFFC00, v49;
	v50 =	vand.u32 $0x7F, v43;
	v51 =	vshll.u32 v43, $0x3  }
0x18e: {  	v53 =	vshll.u32 v38, $0x3;
	v59 =	vand.u32 $0x7F, v38;
	v62 =	vand.u32 $0xFFFFFC00, v61;
	v32 =	vld.idx.msk [tilespmem:v32+s24+$0x0], $0xffff  }
0x18f: {  	v61 =	vshll.u32 v46, $0x3;
	v51 =	vand.u32 $0xFFFFFC00, v51;
	v53 =	vand.u32 $0xFFFFFC00, v53;
	v57 =	vld.idx.msk [tilespmem:v40+s24+$0x0], $0xffff  }
0x190: {  	v54 =	vadd.s32 v7, v44;
	v40 =	vand.u32 $0x7F, v40;
	v50 =	vor.u32 v50, v51;
	v45 =	vld.idx.msk [tilespmem:v56+s24+$0x0], $0xffff  }
0x191: {  	v51 =	vor.u32 v59, v53;
	v55 =	vld.idx.msk [tilespmem:v37+s24+$0x0], $0xffff;
	v59 =	vand.u32 $0x7F, v39;
	v40 =	vor.u32 v40, v47  }
0x192: {  	v42 =	vld.idx.msk [tilespmem:v42+s24+$0x0], $0xffff;
	v47 =	vshll.u32 v56, $0x3;
	v50 =	vadd.s32 v7, v50;
	v56 =	vshll.u32 v33, $0x3  }
0x193: {  	v39 =	vld.idx.msk [tilespmem:v39+s24+$0x0], $0xffff;
	v28 =	vshll.u32 v29, $0x3;
	v13 =	vand.u32 $0x7F, v29;
	v40 =	vadd.s32 v7, v40  }
0x194: {  	v43 =	vld.idx.msk [tilespmem:v43+s24+$0x0], $0xffff;
	v37 =	vand.u32 $0xFFFFFC00, v56;
	v48 =	vand.u32 $0xFFFFFC00, v28;
	v28 =	vadd.s32 v7, v35  }
0x195: {  	v38 =	vld.idx.msk [tilespmem:v38+s24+$0x0], $0xffff;
	v35 =	vor.u32 v60, v62;
	v13 =	vor.u32 v13, v48;
	v48 =	vor.u32 v58, v49  }
0x196: {  	v60 =	vld.idx.msk [tilespmem:v25+s17+$0x0], $0xffff;
	v58 =	vand.u32 $0x7F, v33;
	v25 =	vadd.s32 v7, v35;
	v35 =	vand.u32 $0xFFFFFC00, v61  }
0x197: {  	v49 =	vld.idx.msk [tilespmem:v27+s5+$0x0], $0xffff;
	v27 =	vadd.s32 v7, v41;
	v13 =	vadd.s32 v7, v13;
	vm1 =	vgt.s32 v57, $0x0  }
0x198: {  	v53 =	vld.idx.msk [tilespmem:v46+s24+$0x0], $0xffff;
	v57 =	vand.u32 $0xFFFFFC00, v63;
	v48 =	vadd.s32 v7, v48;
	vm0 =	vmand vm0, vm1  }
0x199: {  	v23 =	vld.idx.msk [tilespmem:v23+s24+$0x0], $0xffff;
	v37 =	vor.u32 v58, v37;
	v36 =	vnsel vm0, $0x0, v36;
	vm0 =	vgt.s32 v43, $0x0  }
0x19a: {  	v33 =	vld.idx.msk [tilespmem:v33+s24+$0x0], $0xffff;
	v63 =	vand.u32 $0x7F, v46;
	vm3 =	vgt.s32 v42, $0x0;
	vm0 =	vmand vm15, vm0  }
0x19b: {  	vm1 =	vgt.s32 v38, $0x0;
	v34 =	vnsel vm0, $0x0, v34;
	vm0 =	vgt.s32 v55, $0x0;
	v55 =	vld.idx.msk [tilespmem:v24+s5+$0x0], $0xffff  }
0x19c: {  	v62 =	vor.u32 v59, v57;
	v35 =	vor.u32 v63, v35;
	vm3 =	vmand vm14, vm3;
	[tilespmem:v50+s25+$0x0] =	vst.idx.add.f32.msk $0xffff, v34  }
0x19d: {  	vm14 =	vgt.s32 v39, $0x0;
	vm12 =	vmand vm12, vm1;
	vm1 =	vgt.s32 v53, $0x0;
	v50 =	vld.idx.msk [tilespmem:v30+s5+$0x0], $0xffff  }
0x19e: {  	v61 =	vld.idx.msk [tilespmem:v29+s24+$0x0], $0xffff;
	v35 =	vadd.s32 v7, v35;
	vm15 =	vgt.s32 v45, $0x0;
	vm1 =	vmand vm11, vm1  }
0x19f: {  	[tilespmem:v40+s25+$0x0] =	vst.idx.add.f32.msk $0xffff, v36;
	v57 =	vshll.u32 v49, $0x3;
	v58 =	vand.u32 $0x7F, v49;
	v30 =	vand.u32 $0xFFFFFC00, v47  }
0x1a0: {  	v22 =	vnsel vm1, $0x0, v22;
	v24 =	vor.u32 v52, v30;
	v30 =	vnsel vm3, $0x0, v60;
	v60 =	vld.idx.msk [tilespmem:v26+s24+$0x0], $0xffff  }
0x1a1: {  	vm1 =	vgt.s32 v33, $0x0;
	vm8 =	vmand vm8, vm15;
	v34 =	vadd.s32 v7, v62;
	[tilespmem:v48+s25+$0x0] =	vst.idx.add.f32.msk $0xffff, v30  }
0x1a2: {  	v41 =	vand.u32 $0xFFFFFC00, v57;
	vm0 =	vmand vm10, vm0;
	v43 =	vld.idx.msk [tilespmem:v49+s24+$0x0], $0xffff;
	v59 =	vshll.u32 v50, $0x3  }
0x1a3: {  	vm3 =	vmand vm13, vm14;
	[tilespmem:v35+s25+$0x0] =	vst.idx.add.f32.msk $0xffff, v22;
	v26 =	vand.u32 $0x7F, v50;
	v40 =	vand.u32 $0xFFFFFC00, v59  }
0x1a4: {  	v31 =	vnsel vm3, $0x0, v31;
	vm3 =	vgt.s32 v32, $0x0;
	v22 =	vor.u32 v26, v40;
	v39 =	vld.idx.msk [tilespmem:v55+s24+$0x0], $0xffff  }
0x1a5: {  	vm7 =	vmand vm7, vm1;
	vm3 =	vmand vm4, vm3;
	v26 =	vadd.s32 v7, v22;
	v22 =	vld.idx.msk [tilespmem:v12+s17+$0x0], $0xffff  }
0x1a6: {  	v30 =	vadd.s32 v7, v37;
	v37 =	vor.u32 v58, v41;
	v12 =	vnsel vm3, $0x0, v16;
	v16 =	vld [tilespmem:$0x1FFD0]  }
0x1a7: {  	vm13 =	vgt.s32 v23, $0x0;
	v56 =	vadd.s32 v7, v24;
	v37 =	vadd.s32 v7, v37;
	[tilespmem:v28+s25+$0x0] =	vst.idx.add.f32.msk $0xffff, v12  }
0x1a8: {  	v24 =	vadd.s32 v7, v51;
	vm6 =	vmand vm6, vm13;
	v29 =	vshll.u32 v55, $0x3;
	v12 =	vld [tilespmem:$0x1FFE0]  }
0x1a9: {  	v62 =	vand.u32 $0x7F, v55;
	v29 =	vand.u32 $0xFFFFFC00, v29;
	vm14 =	vgt.s32 v43, $0x0  }
0x1aa: {  	p0 =	slt.u32 s31, $0x30;
	v15 =	vnsel vm6, $0x0, v15;
	v63 =	vor.u32 v62, v29;
	v36 =	vld.idx.msk [tilespmem:v50+s24+$0x0], $0xffff;
	vm9 =	vmand vm9, vm14  }
.Ltmp1:
0x1ab: {  	vm15 =	vgt.s32 v60, $0x0;
	v29 =	vld.idx.msk [tilespmem:v11+s17+$0x0], $0xffff;
	v23 =	vadd.s32 v7, v63;
	v11 =	vnsel vm9, $0x0, v20;
	(pc) =	sbr.rel @p0 .LBB2_4-.Ltmp1, $4  }
0x1ac: {  	vm3 =	vgt.s32 v61, $0x0;
	[tilespmem:v37+s25+$0x0] =	vst.idx.add.f32.msk $0xffff, v11;
	v11 =	vnsel vm7, $0x0, v21;
	vm4 =	vnez.u8 v16  }
0x1ad: {  	[tilespmem:v54+s25+$0x0] =	vst.idx.add.f32.msk $0xffff, v15;
	v16 =	vnsel vm0, $0x0, v17;
	vm0 =	vgt.s32 v39, $0x0;
	vm1 =	vnez.u8 v12  }
0x1ae: {  	[tilespmem:v34+s25+$0x0] =	vst.idx.add.f32.msk $0xffff, v31;
	vm4 =	vmand vm4, vm15;
	v12 =	vnsel vm8, $0x0, v18;
	vm1 =	vmand vm1, vm3  }
0x1af: {  	s31 =	sadd.s32 $0x10, s31;
	[tilespmem:v56+s25+$0x0] =	vst.idx.add.f32.msk $0xffff, v12;
	v12 =	vnsel vm12, $0x0, v19;
	v14 =	vnsel vm1, $0x0, v14;
	vm1 =	vgt.s32 v36, $0x0  }
0x1b0: {  	_ =	sdelay $0x3  }
0x1b1: {  	[tilespmem:v30+s25+$0x0] =	vst.idx.add.f32.msk $0xffff, v11  }
0x1b2: {  	[tilespmem:v24+s25+$0x0] =	vst.idx.add.f32.msk $0xffff, v12  }
0x1b3: {  	vm1 =	vmand vm2, vm1;
	[tilespmem:v25+s25+$0x0] =	vst.idx.add.f32.msk $0xffff, v16  }
0x1b4: {  	[tilespmem:v13+s25+$0x0] =	vst.idx.add.f32.msk $0xffff, v14;
	v9 =	vnsel vm1, $0x0, v10  }
0x1b5: {  	vm0 =	vmand vm5, vm0;
	v10 =	vnsel vm4, $0x0, v29;
	[tilespmem:v26+s25+$0x0] =	vst.idx.add.f32.msk $0xffff, v9  }
0x1b6: {  	v9 =	vnsel vm0, $0x0, v22;
	[tilespmem:v27+s25+$0x0] =	vst.idx.add.f32.msk $0xffff, v10  }
0x1b7: {  	[tilespmem:v23+s25+$0x0] =	vst.idx.add.f32.msk $0xffff, v9  }
0x1b8: {  	v9 =	vld [tilespmem:$0x4380];
	_ =	sdelay $0x7  }
0x1b9: {  	v9 =	vld.idx.msk [tilespmem:v9+s5+$0x0], $0xffff;
	_ =	sdelay $0x7  }
0x1ba: {  	v10 =	vld.idx.msk [tilespmem:v9+s24+$0x0], $0xffff;
	_ =	sdelay $0x4  }
0x1bb: {  	v10 =	vshll.u32 v10, $0x9  }
0x1bc: {  	v9 =	vsub.s32 v9, v10  }
0x1bd: {  	v9 =	vadd.s32 $0x200, v9  }
0x1be: {  	[tilespmem:v5+s26+$0x0] =	vst.idx.msk $0xffff, v9  }
0x1bf: {  	v9 =	vld [tilespmem:$0x4390];
	_ =	sdelay $0x7  }
0x1c0: {  	v9 =	vld.idx.msk [tilespmem:v9+s5+$0x0], $0xffff;
	_ =	sdelay $0x7  }
0x1c1: {  	v10 =	vld.idx.msk [tilespmem:v9+s24+$0x0], $0xffff;
	_ =	sdelay $0x4  }
0x1c2: {  	v10 =	vshll.u32 v10, $0x9  }
0x1c3: {  	v9 =	vsub.s32 v9, v10  }
0x1c4: {  	v9 =	vadd.s32 $0x200, v9  }
0x1c5: {  	s0 =	rddreg [dreg:$0xb];
	[tilespmem:v8+s26+$0x0] =	vst.idx.msk $0xffff, v9  }
0x1c6: {  	[hbm4b:s0+s5] =	stream.linear.scatter [tilespmem:s25], [sflag:$0x3], $0x2000, $0x38;
	[tilespmem:$0x7400] =	vst v63  }
0x1c7: {  	s31 =	rddreg [dreg:$0xc]  }
0x1c8: {  	[hbm4b:s31+s5] =	stream.linear.scatter [tilespmem:s26], [sflag:$0x3], $0x1000, $0x38;
	[tilespmem:$0x7400] =	vst v63  }
0x1c9: {  	_ =	swait.ge [sflag:s28], $0x2000  }
0x1ca: {  	[sflag:s28] =	ssyncset.done $0x0  }
0x1cb: {  	[sflag:s28] =	ssyncadd.s32 $0xFFFFE000  }
0x1cc: {  	[hbm4b:s12+s5] =	stream.linear.scatter [tilespmem:s20], [sflag:$0x3], $0x2000, $0x38;
	[tilespmem:$0x7400] =	vst v63  }
0x1cd: {  	_ =	swait.ge [sflag:s29], $0x2000  }
0x1ce: {  	[sflag:s29] =	ssyncset.done $0x0  }
0x1cf: {  	s30 =	sadd.s32 $0x1, s30;
	[sflag:s29] =	ssyncadd.s32 $0xFFFFE000  }
0x1d0: {  	p0 =	sne.s32 s30, s13;
	_ =	swait.ge [sflag:s29], $0x1000  }
.Ltmp2:
0x1d1: {  	[sflag:s29] =	ssyncset.done $0x0;
	(pc) =	sbr.rel @p0 .LBB2_1-.Ltmp2, $4  }
0x1d2: {  	[sflag:s29] =	ssyncadd.s32 $0xFFFFF000  }
0x1d3: {  	_ =	swait.ge [sflag:s29], $0x2000  }
0x1d4: {  	[sflag:s29] =	ssyncset.done $0x0  }
0x1d5: {  	[sflag:s29] =	ssyncadd.s32 $0xFFFFE000  }
0x1d6: {  	_ =	sfence.sel $0x180000  }
0x1d7: {  	[bflag:$0x0] =	sbarrier.arrive $0xFFFF  }
0x1d8: {  	_ =	strace $0x90000047  }
0x1d9: {  	s0 =	stileid.u32;
	[bflag:$0x2] =	sbarrier.arrive $0xFFFF  }
0x1da: {  	p0 =	sne.s32 s0, $0x0;
	s0 =	rddreg [dreg:$0x6]  }
0x1db: {  	s0 =	sadd.s32 @!p0 $0x100000, s0  }
0x1dc: {  	[sflag:s0] =	ssyncadd.tile.s32 @!p0 $0x1;
	_ =	shalt  }
.Lfunc_end2:
_tile_overlayer_lowered:
.L_overlay_start_2:
0x1dd: {  	(tag) =	ssettag $0x2  }
0x1de: {  	s0 =	rddreg [dreg:$0x0];
	s2 =	stileid.u32  }
0x1df: {  	s1 =	rddreg [dreg:$0x1];
	p0 =	sne.s32 s2, $0x0  }
0x1e0: {  	s3 =	rddreg [dreg:$0x2];
	[bflag:$0x3] =	sbarrier.arrive $0xFFFF;
	s2 =	simm.s32 @!p0 $0x1C04  }
0x1e1: {  	[timem:s3], [sflag:s2] =	dma.local @!p0 [hbm:s0], s1  }
0x1e2: {  	s0 =	simm.s32 @!p0 $0x4  }
0x1e3: {  	_ =	swait.ge @!p0 [sflag:s0], s1  }
0x1e4: {  	s1 =	ssub.s32 @!p0 $0x0, s1;
	[sflag:s0] =	ssyncset.done @!p0 $0x0  }
0x1e5: {  	[sflag:s0] =	ssyncadd.s32 @!p0 s1  }
0x1e6: {  	[bflag:$0x3] =	sbarrier.arrive $0xFFFF  }
0x1e7: {  	_ =	shalt  }

</sc_bundles>
